<compile_context>
chip_gen: v7x
topology: tpu7x:2x2x1
jax: 0.10.2.dev20260603
libtpu: 0.0.44.dev20260713+nightly
codegen_flags: <defaults>
</compile_context>

<pallas_src>
import functools

import jax
import jax.numpy as jnp
from jax import lax
from jax.experimental import pallas as pl
from jax.experimental.pallas import tpu as pltpu
from jax.experimental.pallas import tpu_sc as plsc

N = 10000
NV = N + 1
NPAD = 10240
E = 640000
G = 128
D = 128
PAD_ROW = 10100
NS = 16
ROWS_T = NPAD // NS
SCHUNKS = 320
BLK = 32
NBLK = SCHUNKS // BLK
ES = NS * SCHUNKS * 128
EP = ES


def _mesh():
    return plsc.VectorSubcoreMesh(core_axis_name="c", subcore_axis_name="s")


@functools.partial(
    pl.kernel,
    out_type=(
        jax.ShapeDtypeStruct((2, NPAD), jnp.float32),
        jax.ShapeDtypeStruct((256,), jnp.float32),
    ),
    mesh=_mesh(),
    scratch_types=(
        pltpu.VMEM_SHARED((NPAD,), jnp.float32),
        pltpu.VMEM_SHARED((256,), jnp.float32),
        pltpu.VMEM((SCHUNKS, 128), jnp.int32),
        pltpu.VMEM((5, 128), jnp.int32),
        pltpu.VMEM((128,), jnp.float32),
    ),
)
def _sc_pass1(didx, bidx, zeros1, deg_out, counts_out,
              deg_sh, cnt_sh, idxbuf, bbuf, ones):
    c = lax.axis_index("c")
    s = lax.axis_index("s")
    w = c * NS + s
    sl_t = pl.ds(s * ROWS_T, ROWS_T)
    pltpu.sync_copy(zeros1.at[sl_t], deg_sh.at[sl_t])

    @pl.when(s == 0)
    def _():
        pltpu.sync_copy(zeros1.at[pl.ds(0, 256)], cnt_sh)

    for k in range(8):
        ones[pl.ds(16 * k, 16)] = jnp.full((16,), 1.0, jnp.float32)
    pltpu.sync_copy(didx.at[w], idxbuf)
    pltpu.sync_copy(bidx.at[s], bbuf)
    plsc.subcore_barrier()

    def deg_body(j, carry):
        pltpu.sync_copy(ones, deg_sh.at[idxbuf.at[j]], add=True)
        return carry

    lax.fori_loop(0, SCHUNKS, deg_body, 0)

    @pl.when(c == 0)
    def _():
        def cnt_body(j, carry):
            pltpu.sync_copy(ones, cnt_sh.at[bbuf.at[j]], add=True)
            return carry

        lax.fori_loop(0, 5, cnt_body, 0)

    plsc.subcore_barrier()

    @pl.when(jnp.logical_and(c == 0, s == 0))
    def _():
        pltpu.sync_copy(cnt_sh, counts_out)

    pltpu.sync_copy(deg_sh.at[sl_t], deg_out.at[c, sl_t])


@functools.partial(
    pl.kernel,
    out_type=jax.ShapeDtypeStruct((2, NPAD, D), jnp.float32),
    mesh=_mesh(),
    scratch_types=(
        pltpu.VMEM_SHARED((NPAD, D), jnp.float32),
        pltpu.VMEM((BLK, 128), jnp.int32),
        pltpu.VMEM((BLK, 128), jnp.int32),
        pltpu.VMEM((128, D), jnp.float32),
        pltpu.VMEM((128, D), jnp.float32),
        pltpu.SemaphoreType.DMA,
        pltpu.SemaphoreType.DMA,
    ),
)
def _sc_spass(zp_flat, sidx, didx, zeros2, s_out,
              S_sh, srcbuf, dstbuf, rows0, rows1, g0, g1):
    c = lax.axis_index("c")
    s = lax.axis_index("s")
    w = c * NS + s
    sl_t = pl.ds(s * ROWS_T, ROWS_T)
    pltpu.sync_copy(zeros2.at[sl_t], S_sh.at[sl_t])
    plsc.subcore_barrier()

    def blk_body(b, carry):
        pltpu.sync_copy(sidx.at[w, pl.ds(b * BLK, BLK)], srcbuf)
        pltpu.sync_copy(didx.at[w, pl.ds(b * BLK, BLK)], dstbuf)
        pltpu.async_copy(zp_flat.at[srcbuf.at[0]], rows0, g0)

        def body(i, carry2):
            j0 = 2 * i
            d1 = pltpu.async_copy(zp_flat.at[srcbuf.at[j0 + 1]], rows1, g1)
            pltpu.make_async_copy(zp_flat.at[srcbuf.at[0]], rows0, g0).wait()
            pltpu.sync_copy(rows0, S_sh.at[dstbuf.at[j0]], add=True)

            @pl.when(j0 + 2 < BLK)
            def _():
                pltpu.async_copy(zp_flat.at[srcbuf.at[j0 + 2]], rows0, g0)

            d1.wait()
            pltpu.sync_copy(rows1, S_sh.at[dstbuf.at[j0 + 1]], add=True)
            return carry2

        lax.fori_loop(0, BLK // 2, body, 0)
        return carry

    lax.fori_loop(0, NBLK, blk_body, 0)
    plsc.subcore_barrier()
    pltpu.sync_copy(S_sh.at[sl_t], s_out.at[c, sl_t])


@functools.partial(
    pl.kernel,
    out_type=jax.ShapeDtypeStruct((2, NPAD * G), jnp.float32),
    mesh=_mesh(),
    scratch_types=(
        pltpu.VMEM_SHARED((NPAD * G,), jnp.float32),
        pltpu.VMEM((BLK, 128), jnp.int32),
        pltpu.VMEM((BLK, 128), jnp.int32),
        pltpu.VMEM((NPAD,), jnp.int32),
        pltpu.VMEM((NPAD,), jnp.float32),
        pltpu.VMEM((128,), jnp.int32),
        pltpu.VMEM((128,), jnp.float32),
        pltpu.VMEM((128,), jnp.int32),
        pltpu.VMEM((128,), jnp.float32),
        pltpu.SemaphoreType.DMA,
        pltpu.SemaphoreType.DMA,
    ),
    compiler_params=pltpu.CompilerParams(needs_layout_passes=False),
)
def _sc_ppass(psidx, pdidx, batch_tab, dinv_tab, zerosf, p_out,
              P_sh, sbuf, dbuf, batch_v, dinv_v, fbuf0, vbuf0, fbuf1, vbuf1,
              t0, t1):
    c = lax.axis_index("c")
    s = lax.axis_index("s")
    w = c * NS + s
    W = NPAD * G // NS
    sl_t = pl.ds(s * W, W)
    pltpu.sync_copy(zerosf.at[sl_t], P_sh.at[sl_t])
    pltpu.sync_copy(batch_tab, batch_v)
    pltpu.sync_copy(dinv_tab.at[c], dinv_v)
    plsc.subcore_barrier()

    bufs = ((fbuf0, vbuf0, t0), (fbuf1, vbuf1, t1))

    def blk_body(b, carry):
        pltpu.sync_copy(psidx.at[w, pl.ds(b * BLK, BLK)], sbuf)
        pltpu.sync_copy(pdidx.at[w, pl.ds(b * BLK, BLK)], dbuf)

        def body(i, carry2):
            for p, (fb, vb, sem) in enumerate(bufs):
                j = 2 * i + p

                @pl.when(i > 0)
                def _():
                    pltpu.make_async_copy(vb, P_sh.at[fb], sem).wait()

                for k in range(8):
                    slk = pl.ds(16 * k, 16)
                    s16 = sbuf[j, slk]
                    d16 = dbuf[j, slk]
                    g16 = plsc.load_gather(batch_v, [d16])
                    w16 = plsc.load_gather(dinv_v, [d16])
                    fb[slk] = s16 * 128 + g16
                    vb[slk] = w16
                pltpu.async_copy(vb, P_sh.at[fb], sem, add=True)
            return carry2

        lax.fori_loop(0, BLK // 2, body, 0)
        for fb, vb, sem in bufs:
            pltpu.make_async_copy(vb, P_sh.at[fb], sem).wait()
        return carry

    lax.fori_loop(0, NBLK, blk_body, 0)
    plsc.subcore_barrier()
    pltpu.sync_copy(P_sh.at[sl_t], p_out.at[c, sl_t])


def _tc_stage_a(xp, w1s, degs, counts_row):
    def body(xp_ref, w_ref, deg_ref, cnt_ref, dinv_ref, zp_ref, roots_ref,
             r_ref):
        cnt = cnt_ref[:, 0:G]
        gr = lax.broadcasted_iota(jnp.int32, (G, G), 0)
        gc = lax.broadcasted_iota(jnp.int32, (G, G), 1)
        tri = (gr < gc).astype(jnp.float32)
        roots_f = jnp.dot(cnt, tri, preferred_element_type=jnp.float32)
        roots_i = roots_f.astype(jnp.int32)
        roots_ref[...] = roots_i
        iota0 = lax.broadcasted_iota(jnp.int32, (NPAD, 1), 0)
        r = jnp.sum((iota0 == roots_i).astype(jnp.float32), axis=1,
                    keepdims=True)
        r_ref[...] = r
        valid = iota0 <= N
        is_n = (iota0 == N).astype(jnp.float32)
        x = xp_ref[...]
        for b in (0, 1):
            deg = deg_ref[b] + 1.0
            if b == 0:
                deg = deg + r
            else:
                deg = deg + 128.0 * is_n
            dinv = jnp.where(valid, lax.rsqrt(deg), 0.0)
            dinv_ref[b] = dinv
            z = jnp.dot(x, w_ref[b], preferred_element_type=jnp.float32)
            zp_ref[b] = z * dinv

    return pl.pallas_call(
        body,
        out_shape=(
            jax.ShapeDtypeStruct((2, NPAD, 1), jnp.float32),
            jax.ShapeDtypeStruct((2, NPAD, D), jnp.float32),
            jax.ShapeDtypeStruct((1, G), jnp.int32),
            jax.ShapeDtypeStruct((NPAD, 1), jnp.float32),
        ),
    )(xp, w1s, degs, counts_row)


def _tc_branch(b, S_b, zp_b, dinv_b, rr, w2, b1, b2, P_b, counts):
    def body(S_ref, zp_ref, dinv_ref, r_ref, w2_ref, b1_ref, b2_ref, P_ref,
             cnt_ref, out_ref):
        r = r_ref[...]
        Sb = S_ref[...]
        z = zp_ref[...]
        dv = dinv_ref[...]
        if b == 0:
            Sb = Sb + r * z[N:N + 1, :]
        else:
            iota0 = lax.broadcasted_iota(jnp.int32, (NPAD, 1), 0)
            row_n = jnp.sum(r * z, axis=0, keepdims=True)
            Sb = Sb + (iota0 == N).astype(jnp.float32) * row_n
        h1 = dv * (Sb + z) + b1_ref[...]
        m = jnp.dot(jax.nn.relu(h1), w2_ref[...],
                    preferred_element_type=jnp.float32)
        mp = dv * m
        if b == 0:
            s2n = r[N:N + 1, :] * mp[N:N + 1, :]
        else:
            s2n = jnp.sum(r * mp, axis=0, keepdims=True)
        dvn = dv[N:N + 1, :]
        h2n = dvn * s2n + dvn * dvn * m[N:N + 1, :] + b2_ref[...]
        pool = lax.dot_general(P_ref[...], mp, (((0,), (0,)), ((), ())),
                               preferred_element_type=jnp.float32)
        out_ref[...] = pool + cnt_ref[...] * b2_ref[...] + h2n

    return pl.pallas_call(
        body,
        out_shape=jax.ShapeDtypeStruct((G, D), jnp.float32),
    )(S_b, zp_b, dinv_b, rr, w2, b1, b2, P_b, counts)


def _tc_head(pooled_td, pooled_bu, wp1, bp1, wp2, bp2):
    def body(td_ref, bu_ref, wp1_ref, bp1_ref, wp2_ref, bp2_ref, out_ref):
        h = jnp.concatenate([bu_ref[...], td_ref[...]], axis=1)
        h = jax.nn.relu(jnp.dot(h, wp1_ref[...],
                                preferred_element_type=jnp.float32)
                        + bp1_ref[...])
        out_ref[...] = jnp.dot(h, wp2_ref[...],
                               preferred_element_type=jnp.float32) + bp2_ref[...]

    return pl.pallas_call(
        body,
        out_shape=jax.ShapeDtypeStruct((G, D), jnp.float32),
    )(pooled_td, pooled_bu, wp1, bp1, wp2, bp2)


def _pad_i32(a, n, val):
    return jnp.concatenate(
        [a, jnp.full((n - a.shape[0],), val, jnp.int32)])


def kernel(x, edge_index, batch, emb, td_W1, td_b1, td_W2, td_b2,
           bu_W1, bu_b1, bu_W2, bu_b2, Wp1, bp1, Wp2, bp2):
    i32 = jnp.int32
    src0 = edge_index[0].astype(i32)
    dst0 = edge_index[1].astype(i32)
    batch = batch.astype(i32)

    zeros1 = jnp.zeros((NPAD,), jnp.float32)
    zeros2 = jnp.zeros((NPAD, D), jnp.float32)
    zerosf = zeros2.reshape(NPAD * D)

    s_src = jnp.stack([
        _pad_i32(src0, ES, 0),
        _pad_i32(dst0, ES, 0) + NPAD,
    ]).reshape(2 * NS, SCHUNKS, 128)
    s_dst = jnp.stack([
        _pad_i32(dst0, ES, PAD_ROW),
        _pad_i32(src0, ES, PAD_ROW),
    ]).reshape(2 * NS, SCHUNKS, 128)
    bidx = _pad_i32(batch, NPAD, 255).reshape(NS, 5, 128)

    deg_raw, counts256 = _sc_pass1(s_dst, bidx, zeros1)
    counts = counts256[0:G]

    xp = jnp.concatenate(
        [x, emb, jnp.zeros((NPAD - NV, D), jnp.float32)], axis=0)
    w1s = jnp.stack([td_W1, bu_W1])
    dinv, zp, roots2, rr = _tc_stage_a(xp, w1s, deg_raw.reshape(2, NPAD, 1),
                                       counts256.reshape(1, 256))
    roots = roots2.reshape(G)

    S = _sc_spass(zp.reshape(2 * NPAD, D), s_src, s_dst, zeros2)

    roots_dst = jnp.where(roots == N, PAD_ROW, roots)
    i_n = jnp.arange(N, dtype=i32)
    p_src = jnp.stack([
        _pad_i32(jnp.concatenate([src0, jnp.full((G,), N, i32), i_n]),
                 EP, PAD_ROW),
        _pad_i32(jnp.concatenate([dst0, i_n]), EP, PAD_ROW),
    ]).reshape(2 * NS, SCHUNKS, 128)
    p_dst = jnp.stack([
        _pad_i32(jnp.concatenate([dst0, roots_dst, i_n]), EP, PAD_ROW),
        _pad_i32(jnp.concatenate([src0, i_n]), EP, PAD_ROW),
    ]).reshape(2 * NS, SCHUNKS, 128)
    batch_tab = _pad_i32(batch, NPAD, 255)
    dinv_tab = dinv.reshape(2, NPAD)

    P = _sc_ppass(p_src, p_dst, batch_tab, dinv_tab, zerosf)

    P = P.reshape(2, NPAD, G)
    cnt_col = counts.reshape(G, 1)
    pooled_td = _tc_branch(0, S[0], zp[0], dinv[0], rr, td_W2,
                           td_b1.reshape(1, D), td_b2.reshape(1, D),
                           P[0], cnt_col)
    pooled_bu = _tc_branch(1, S[1], zp[1], dinv[1], rr, bu_W2,
                           bu_b1.reshape(1, D), bu_b2.reshape(1, D),
                           P[1], cnt_col)
    return _tc_head(pooled_td, pooled_bu, Wp1, bp1.reshape(1, 256),
                    Wp2, bp2.reshape(1, D))

# --- scband reference (transcript-rebuilt; emitter-appended) ---
"""Pipeline reference for scband-bi-gcn-graphcl-20194936226505 (READ-ONLY COPY).

The authoritative reference and input builder live on the scoring server;
editing this copy changes nothing except your own understanding.
"""

import jax, jax.numpy as jnp
import numpy as np

N_NODES = 10000
N_EDGES = 640000
D_FEAT = 128
HIDDEN = 128
OUT_FEATS = 128
N_GRAPHS = 128


def setup_inputs(seed: int = 0) -> dict:
    key = jax.random.key(seed)
    ks = jax.random.split(key, 20)
    x = jax.random.normal(ks[0], (N_NODES, D_FEAT), dtype=jnp.float32)
    edge_index = jax.random.randint(ks[1], (2, N_EDGES), 0, N_NODES, dtype=jnp.int64 if jax.config.jax_enable_x64 else jnp.int32).astype(jnp.int32)
    batch = jnp.sort(jax.random.randint(ks[2], (N_NODES,), 0, N_GRAPHS).astype(jnp.int32))
    s = 1.0 / np.sqrt(D_FEAT)
    emb = jax.random.uniform(ks[3], (1, D_FEAT), minval=-s, maxval=s, dtype=jnp.float32)
    def lin(k, fi, fo):
        b = 1.0 / np.sqrt(fi)
        return jax.random.uniform(k, (fi, fo), minval=-b, maxval=b, dtype=jnp.float32)
    td_W1 = lin(ks[4], D_FEAT, HIDDEN); td_b1 = jnp.zeros((HIDDEN,), jnp.float32)
    td_W2 = lin(ks[5], HIDDEN, OUT_FEATS); td_b2 = jnp.zeros((OUT_FEATS,), jnp.float32)
    bu_W1 = lin(ks[6], D_FEAT, HIDDEN); bu_b1 = jnp.zeros((HIDDEN,), jnp.float32)
    bu_W2 = lin(ks[7], HIDDEN, OUT_FEATS); bu_b2 = jnp.zeros((OUT_FEATS,), jnp.float32)
    Wp1 = lin(ks[8], OUT_FEATS * 2, 256); bp1 = jnp.zeros((256,), jnp.float32)
    Wp2 = lin(ks[9], 256, 128); bp2 = jnp.zeros((128,), jnp.float32)
    return {"x": x, "edge_index": edge_index, "batch": batch, "emb": emb,
            "td_W1": td_W1, "td_b1": td_b1, "td_W2": td_W2, "td_b2": td_b2,
            "bu_W1": bu_W1, "bu_b1": bu_b1, "bu_W2": bu_W2, "bu_b2": bu_b2,
            "Wp1": Wp1, "bp1": bp1, "Wp2": Wp2, "bp2": bp2}


def gcn_conv(x, edge_index, W, b, num_nodes):
    # PyG GCNConv: add self loops, symmetric normalization, linear, scatter-add, bias
    src = edge_index[0]
    dst = edge_index[1]
    loop = jnp.arange(num_nodes, dtype=src.dtype)
    src = jnp.concatenate([src, loop])
    dst = jnp.concatenate([dst, loop])
    ones = jnp.ones(dst.shape[0], dtype=x.dtype)
    deg = jax.ops.segment_sum(ones, dst, num_segments=num_nodes)
    dinv = jnp.where(deg > 0, jax.lax.rsqrt(jnp.maximum(deg, 1e-12)), 0.0)
    norm = dinv[src] * dinv[dst]
    xw = x @ W
    msg = xw[src] * norm[:, None]
    out = jax.ops.segment_sum(msg, dst, num_segments=num_nodes)
    return out + b


def rumor_gcn(x, edge_index, W1, b1, W2, b2, batch, num_nodes, n_graphs):
    h = gcn_conv(x, edge_index, W1, b1, num_nodes)
    h = jax.nn.relu(h)
    # dropout is identity in eval mode
    h = gcn_conv(h, edge_index, W2, b2, num_nodes)
    # Prompt=True: global_add_pool over real nodes + virtual node embedding
    hs = jax.ops.segment_sum(h[:-1], batch, num_segments=n_graphs) + h[-1]
    return hs


def reference(x, edge_index, batch, emb, td_W1, td_b1, td_W2, td_b2,
              bu_W1, bu_b1, bu_W2, bu_b2, Wp1, bp1, Wp2, bp2):
    N = x.shape[0]
    B = N_GRAPHS
    # add_virtual_node: root = first node of each graph (batch is sorted)
    roots = jnp.searchsorted(batch, jnp.arange(B, dtype=batch.dtype)).astype(edge_index.dtype)
    virt = emb[0][None, :]
    x_new = jnp.concatenate([x, virt], axis=0)
    root_edges = jnp.stack([jnp.full((B,), N, dtype=edge_index.dtype), roots], axis=0)
    ei = jnp.concatenate([edge_index, root_edges], axis=1)
    num_nodes = N + 1
    # TD branch (original edge direction)
    td_hs = rumor_gcn(x_new, ei, td_W1, td_b1, td_W2, td_b2, batch, num_nodes, B)
    # BU branch flips edges internally
    ei_flip = jnp.flip(ei, axis=0)
    bu_hs = rumor_gcn(x_new, ei_flip, bu_W1, bu_b1, bu_W2, bu_b2, batch, num_nodes, B)
    h = jnp.concatenate([bu_hs, td_hs], axis=1)
    h = jax.nn.relu(h @ Wp1 + bp1)
    h = h @ Wp2 + bp2
    return h

if __name__ == "__main__":
    import jax
    _d = setup_inputs()
    print(jax.jit(kernel)(*tuple(_d.values())))

</pallas_src>

<mosaic_0001>
#map = affine_map<(d0, d1) -> (0, 0)>
#map1 = affine_map<(d0, d1) -> (0, 0, 0)>
module attributes {stable_mosaic.version = 14 : i64} {
  func.func @_sc_spass(%arg0: i32, %arg1: i32, %arg2: memref<20480x128xf32, #tpu.memory_space<hbm>>, %arg3: memref<32x320x128xi32, #tpu.memory_space<hbm>>, %arg4: memref<32x320x128xi32, #tpu.memory_space<hbm>>, %arg5: memref<10240x128xf32, #tpu.memory_space<hbm>>, %arg6: memref<2x10240x128xf32, #tpu.memory_space<hbm>>, %arg7: memref<10240x128xf32, #tpu.memory_space<vmem_shared>>, %arg8: memref<32x128xi32, #tpu.memory_space<vmem>>, %arg9: memref<32x128xi32, #tpu.memory_space<vmem>>, %arg10: memref<128x128xf32, #tpu.memory_space<vmem>>, %arg11: memref<128x128xf32, #tpu.memory_space<vmem>>, %arg12: memref<!tpu.dma_semaphore, #tpu.memory_space<semaphore_mem>>, %arg13: memref<!tpu.dma_semaphore, #tpu.memory_space<semaphore_mem>>) attributes {dimension_semantics = [#tpu.dimension_semantics<core_parallel>, #tpu.dimension_semantics<subcore_parallel>], iteration_bounds = array<i64: 2, 16>, scalar_prefetch = 0 : i64, scratch_operands = 7 : i64, tpu.core_type = #tpu.core_type<sc_vector_subcore>, window_params = [{transform_indices = #map}, {transform_indices = #map1}, {transform_indices = #map1}, {transform_indices = #map}, {transform_indices = #map1}]} {
    %mul3A = arith.constant 16 : i32
    %mul3A_0 = arith.muli %arg0, %mul3A : i32
    %add3A = arith.addi %mul3A_0, %arg1 : i32
    %mul3A_1 = arith.constant 640 : i32
    %mul3A_2 = arith.muli %arg1, %mul3A_1 : i32
    "tpu.region"() ({
      %run_scoped3A = tpu.sem_alloc : memref<!tpu.dma_semaphore, #tpu.memory_space<semaphore_mem>>
      %dma_start3A = arith.constant 0 : i32
      %dma_start3A_9 = tpu.memref_slice %arg7[%mul3A_2, %dma_start3A] : memref<10240x128xf32, #tpu.memory_space<vmem_shared>> -> memref<640x128xf32, #tpu.memory_space<vmem_shared>>
      %dma_start3A_10 = arith.constant 0 : i32
      %dma_start3A_11 = tpu.memref_slice %arg5[%mul3A_2, %dma_start3A_10] : memref<10240x128xf32, #tpu.memory_space<hbm>> -> memref<640x128xf32, #tpu.memory_space<hbm>>
      tpu.enqueue_dma source(%dma_start3A_11 : memref<640x128xf32, #tpu.memory_space<hbm>>) target(%dma_start3A_9 : memref<640x128xf32, #tpu.memory_space<vmem_shared>>) target_semaphore(%run_scoped3A : memref<!tpu.dma_semaphore, #tpu.memory_space<semaphore_mem>>)
      %dma_wait3A = arith.constant 0 : i32
      %dma_wait3A_12 = tpu.memref_slice %arg7[%mul3A_2, %dma_wait3A] : memref<10240x128xf32, #tpu.memory_space<vmem_shared>> -> memref<640x128xf32, #tpu.memory_space<vmem_shared>>
      %dma_wait3A_13 = arith.constant 0 : i32
      %dma_wait3A_14 = tpu.memref_slice %arg5[%mul3A_2, %dma_wait3A_13] : memref<10240x128xf32, #tpu.memory_space<hbm>> -> memref<640x128xf32, #tpu.memory_space<hbm>>
      tpu.wait_dma2 semaphore(%run_scoped3A : memref<!tpu.dma_semaphore, #tpu.memory_space<semaphore_mem>>) src(%dma_wait3A_14 : memref<640x128xf32, #tpu.memory_space<hbm>>) dst(%dma_wait3A_12 : memref<640x128xf32, #tpu.memory_space<vmem_shared>>)
      tpu.yield
    }) : () -> ()
    %barrier3A = arith.constant 0 : index
    tpu.barrier barrier_id(%barrier3A)
    %scan3A = arith.constant 0 : i32
    %scan3A_3 = arith.constant 0 : i32
    %scan3A_4 = arith.constant 10 : i32
    %scan3A_5 = arith.addi %scan3A_3, %scan3A_4 : i32
    %scan3A_6 = arith.constant 1 : i32
    scf.for %scan3A_9 = %scan3A_3 to %scan3A_5 step %scan3A_6  : i32 {
      %mul3A_10 = arith.constant 32 : i32
      %mul3A_11 = arith.muli %scan3A_9, %mul3A_10 : i32
      "tpu.region"() ({
        %run_scoped3A = tpu.sem_alloc : memref<!tpu.dma_semaphore, #tpu.memory_space<semaphore_mem>>
        %dma_start3A_26 = arith.constant 0 : i32
        %dma_start3A_27 = tpu.memref_slice %arg3[%add3A, %mul3A_11, %dma_start3A_26] : memref<32x320x128xi32, #tpu.memory_space<hbm>> -> memref<1x32x128xi32, #tpu.memory_space<hbm>>
        %dma_start3A_28 = tpu.memref_squeeze %dma_start3A_27 : memref<1x32x128xi32, #tpu.memory_space<hbm>> -> memref<32x128xi32, #tpu.memory_space<hbm>>
        %dma_start3A_29 = arith.constant 0 : i32
        %dma_start3A_30 = tpu.memref_slice %arg3[%add3A, %mul3A_11, %dma_start3A_29] : memref<32x320x128xi32, #tpu.memory_space<hbm>> -> memref<1x32x128xi32, #tpu.memory_space<hbm>>
        %dma_start3A_31 = tpu.memref_squeeze %dma_start3A_30 : memref<1x32x128xi32, #tpu.memory_space<hbm>> -> memref<32x128xi32, #tpu.memory_space<hbm>>
        tpu.enqueue_dma source(%dma_start3A_31 : memref<32x128xi32, #tpu.memory_space<hbm>>) target(%arg8 : memref<32x128xi32, #tpu.memory_space<vmem>>) target_semaphore(%run_scoped3A : memref<!tpu.dma_semaphore, #tpu.memory_space<semaphore_mem>>)
        %dma_wait3A = arith.constant 0 : i32
        %dma_wait3A_32 = tpu.memref_slice %arg3[%add3A, %mul3A_11, %dma_wait3A] : memref<32x320x128xi32, #tpu.memory_space<hbm>> -> memref<1x32x128xi32, #tpu.memory_space<hbm>>
        %dma_wait3A_33 = tpu.memref_squeeze %dma_wait3A_32 : memref<1x32x128xi32, #tpu.memory_space<hbm>> -> memref<32x128xi32, #tpu.memory_space<hbm>>
        %dma_wait3A_34 = arith.constant 0 : i32
        %dma_wait3A_35 = tpu.memref_slice %arg3[%add3A, %mul3A_11, %dma_wait3A_34] : memref<32x320x128xi32, #tpu.memory_space<hbm>> -> memref<1x32x128xi32, #tpu.memory_space<hbm>>
        %dma_wait3A_36 = tpu.memref_squeeze %dma_wait3A_35 : memref<1x32x128xi32, #tpu.memory_space<hbm>> -> memref<32x128xi32, #tpu.memory_space<hbm>>
        tpu.wait_dma2 semaphore(%run_scoped3A : memref<!tpu.dma_semaphore, #tpu.memory_space<semaphore_mem>>) src(%dma_wait3A_36 : memref<32x128xi32, #tpu.memory_space<hbm>>) dst(%arg8 : memref<32x128xi32, #tpu.memory_space<vmem>>)
        tpu.yield
      }) : () -> ()
      %mul3A_12 = arith.constant 32 : i32
      %mul3A_13 = arith.muli %scan3A_9, %mul3A_12 : i32
      "tpu.region"() ({
        %run_scoped3A = tpu.sem_alloc : memref<!tpu.dma_semaphore, #tpu.memory_space<semaphore_mem>>
        %dma_start3A_26 = arith.constant 0 : i32
        %dma_start3A_27 = tpu.memref_slice %arg4[%add3A, %mul3A_13, %dma_start3A_26] : memref<32x320x128xi32, #tpu.memory_space<hbm>> -> memref<1x32x128xi32, #tpu.memory_space<hbm>>
        %dma_start3A_28 = tpu.memref_squeeze %dma_start3A_27 : memref<1x32x128xi32, #tpu.memory_space<hbm>> -> memref<32x128xi32, #tpu.memory_space<hbm>>
        %dma_start3A_29 = arith.constant 0 : i32
        %dma_start3A_30 = tpu.memref_slice %arg4[%add3A, %mul3A_13, %dma_start3A_29] : memref<32x320x128xi32, #tpu.memory_space<hbm>> -> memref<1x32x128xi32, #tpu.memory_space<hbm>>
        %dma_start3A_31 = tpu.memref_squeeze %dma_start3A_30 : memref<1x32x128xi32, #tpu.memory_space<hbm>> -> memref<32x128xi32, #tpu.memory_space<hbm>>
        tpu.enqueue_dma source(%dma_start3A_31 : memref<32x128xi32, #tpu.memory_space<hbm>>) target(%arg9 : memref<32x128xi32, #tpu.memory_space<vmem>>) target_semaphore(%run_scoped3A : memref<!tpu.dma_semaphore, #tpu.memory_space<semaphore_mem>>)
        %dma_wait3A = arith.constant 0 : i32
        %dma_wait3A_32 = tpu.memref_slice %arg4[%add3A, %mul3A_13, %dma_wait3A] : memref<32x320x128xi32, #tpu.memory_space<hbm>> -> memref<1x32x128xi32, #tpu.memory_space<hbm>>
        %dma_wait3A_33 = tpu.memref_squeeze %dma_wait3A_32 : memref<1x32x128xi32, #tpu.memory_space<hbm>> -> memref<32x128xi32, #tpu.memory_space<hbm>>
        %dma_wait3A_34 = arith.constant 0 : i32
        %dma_wait3A_35 = tpu.memref_slice %arg4[%add3A, %mul3A_13, %dma_wait3A_34] : memref<32x320x128xi32, #tpu.memory_space<hbm>> -> memref<1x32x128xi32, #tpu.memory_space<hbm>>
        %dma_wait3A_36 = tpu.memref_squeeze %dma_wait3A_35 : memref<1x32x128xi32, #tpu.memory_space<hbm>> -> memref<32x128xi32, #tpu.memory_space<hbm>>
        tpu.wait_dma2 semaphore(%run_scoped3A : memref<!tpu.dma_semaphore, #tpu.memory_space<semaphore_mem>>) src(%dma_wait3A_36 : memref<32x128xi32, #tpu.memory_space<hbm>>) dst(%arg9 : memref<32x128xi32, #tpu.memory_space<vmem>>)
        tpu.yield
      }) : () -> ()
      %dma_start3A = arith.constant 0 : i32
      %dma_start3A_14 = arith.constant 0 : i32
      %dma_start3A_15 = tpu.memref_slice %arg8[%dma_start3A, %dma_start3A_14] : memref<32x128xi32, #tpu.memory_space<vmem>> -> memref<1x128xi32, #tpu.memory_space<vmem>>
      %dma_start3A_16 = tpu.memref_squeeze %dma_start3A_15 : memref<1x128xi32, #tpu.memory_space<vmem>> -> memref<128xi32, #tpu.memory_space<vmem>>
      %dma_start3A_17 = arith.constant 0 : i32
      %dma_start3A_18 = arith.constant 0 : i32
      %dma_start3A_19 = tpu.memref_slice %arg2[%dma_start3A_17, %dma_start3A_18] : memref<20480x128xf32, #tpu.memory_space<hbm>> -> memref<20480x128xf32, #tpu.memory_space<hbm>>
      tpu.enqueue_indirect_dma source(%dma_start3A_19 : memref<20480x128xf32, #tpu.memory_space<hbm>>) target(%arg10 : memref<128x128xf32, #tpu.memory_space<vmem>>) offsets(%dma_start3A_16 : memref<128xi32, #tpu.memory_space<vmem>>) semaphore(%arg12 : memref<!tpu.dma_semaphore, #tpu.memory_space<semaphore_mem>>)
      %scan3A_20 = arith.constant 0 : i32
      %scan3A_21 = arith.constant 0 : i32
      %scan3A_22 = arith.constant 16 : i32
      %scan3A_23 = arith.addi %scan3A_21, %scan3A_22 : i32
      %scan3A_24 = arith.constant 1 : i32
      scf.for %scan3A_26 = %scan3A_21 to %scan3A_23 step %scan3A_24  : i32 {
        %mul3A_27 = arith.constant 2 : i32
        %mul3A_28 = arith.muli %mul3A_27, %scan3A_26 : i32
        %add3A_29 = arith.constant 1 : i32
        %add3A_30 = arith.addi %mul3A_28, %add3A_29 : i32
        %dma_start3A_31 = arith.constant 0 : i32
        %dma_start3A_32 = tpu.memref_slice %arg8[%add3A_30, %dma_start3A_31] : memref<32x128xi32, #tpu.memory_space<vmem>> -> memref<1x128xi32, #tpu.memory_space<vmem>>
        %dma_start3A_33 = tpu.memref_squeeze %dma_start3A_32 : memref<1x128xi32, #tpu.memory_space<vmem>> -> memref<128xi32, #tpu.memory_space<vmem>>
        %dma_start3A_34 = arith.constant 0 : i32
        %dma_start3A_35 = arith.constant 0 : i32
        %dma_start3A_36 = tpu.memref_slice %arg2[%dma_start3A_34, %dma_start3A_35] : memref<20480x128xf32, #tpu.memory_space<hbm>> -> memref<20480x128xf32, #tpu.memory_space<hbm>>
        tpu.enqueue_indirect_dma source(%dma_start3A_36 : memref<20480x128xf32, #tpu.memory_space<hbm>>) target(%arg11 : memref<128x128xf32, #tpu.memory_space<vmem>>) offsets(%dma_start3A_33 : memref<128xi32, #tpu.memory_space<vmem>>) semaphore(%arg13 : memref<!tpu.dma_semaphore, #tpu.memory_space<semaphore_mem>>)
        %dma_wait3A = arith.constant 0 : i32
        %dma_wait3A_37 = arith.constant 0 : i32
        %dma_wait3A_38 = tpu.memref_slice %arg8[%dma_wait3A, %dma_wait3A_37] : memref<32x128xi32, #tpu.memory_space<vmem>> -> memref<1x128xi32, #tpu.memory_space<vmem>>
        %dma_wait3A_39 = tpu.memref_squeeze %dma_wait3A_38 : memref<1x128xi32, #tpu.memory_space<vmem>> -> memref<128xi32, #tpu.memory_space<vmem>>
        %dma_wait3A_40 = arith.constant 0 : i32
        %dma_wait3A_41 = arith.constant 0 : i32
        %dma_wait3A_42 = tpu.memref_slice %arg2[%dma_wait3A_40, %dma_wait3A_41] : memref<20480x128xf32, #tpu.memory_space<hbm>> -> memref<20480x128xf32, #tpu.memory_space<hbm>>
        tpu.wait_indirect_dma semaphore(%arg12 : memref<!tpu.dma_semaphore, #tpu.memory_space<semaphore_mem>>) src(%dma_wait3A_42 : memref<20480x128xf32, #tpu.memory_space<hbm>>) dst(%arg10 : memref<128x128xf32, #tpu.memory_space<vmem>>)
        "tpu.region"() ({
          %run_scoped3A = tpu.sem_alloc : memref<!tpu.dma_semaphore, #tpu.memory_space<semaphore_mem>>
          %dma_start3A_55 = arith.constant 0 : i32
          %dma_start3A_56 = tpu.memref_slice %arg9[%mul3A_28, %dma_start3A_55] : memref<32x128xi32, #tpu.memory_space<vmem>> -> memref<1x128xi32, #tpu.memory_space<vmem>>
          %dma_start3A_57 = tpu.memref_squeeze %dma_start3A_56 : memref<1x128xi32, #tpu.memory_space<vmem>> -> memref<128xi32, #tpu.memory_space<vmem>>
          %dma_start3A_58 = arith.constant 0 : i32
          %dma_start3A_59 = arith.constant 0 : i32
          %dma_start3A_60 = tpu.memref_slice %arg7[%dma_start3A_58, %dma_start3A_59] : memref<10240x128xf32, #tpu.memory_space<vmem_shared>> -> memref<10240x128xf32, #tpu.memory_space<vmem_shared>>
          tpu.enqueue_indirect_dma source(%arg10 : memref<128x128xf32, #tpu.memory_space<vmem>>) target(%dma_start3A_60 : memref<10240x128xf32, #tpu.memory_space<vmem_shared>>) offsets(%dma_start3A_57 : memref<128xi32, #tpu.memory_space<vmem>>) semaphore(%run_scoped3A : memref<!tpu.dma_semaphore, #tpu.memory_space<semaphore_mem>>) {add = true}
          %dma_wait3A_61 = arith.constant 0 : i32
          %dma_wait3A_62 = tpu.memref_slice %arg9[%mul3A_28, %dma_wait3A_61] : memref<32x128xi32, #tpu.memory_space<vmem>> -> memref<1x128xi32, #tpu.memory_space<vmem>>
          %dma_wait3A_63 = tpu.memref_squeeze %dma_wait3A_62 : memref<1x128xi32, #tpu.memory_space<vmem>> -> memref<128xi32, #tpu.memory_space<vmem>>
          %dma_wait3A_64 = arith.constant 0 : i32
          %dma_wait3A_65 = arith.constant 0 : i32
          %dma_wait3A_66 = tpu.memref_slice %arg7[%dma_wait3A_64, %dma_wait3A_65] : memref<10240x128xf32, #tpu.memory_space<vmem_shared>> -> memref<10240x128xf32, #tpu.memory_space<vmem_shared>>
          tpu.wait_indirect_dma semaphore(%run_scoped3A : memref<!tpu.dma_semaphore, #tpu.memory_space<semaphore_mem>>) src(%arg10 : memref<128x128xf32, #tpu.memory_space<vmem>>) dst(%dma_wait3A_66 : memref<10240x128xf32, #tpu.memory_space<vmem_shared>>)
          tpu.yield
        }) : () -> ()
        %add3A_43 = arith.constant 2 : i32
        %add3A_44 = arith.addi %mul3A_28, %add3A_43 : i32
        %lt3A = arith.constant 32 : i32
        %lt3A_45 = arith.cmpi slt, %add3A_44, %lt3A : i32
        %convert_element_type3A = arith.extui %lt3A_45 : i1 to i32
        %cond3A = arith.constant 0 : i32
        %cond3A_46 = arith.cmpi ne, %convert_element_type3A, %cond3A : i32
        scf.if %cond3A_46 {
          %add3A_55 = arith.constant 2 : i32
          %add3A_56 = arith.addi %mul3A_28, %add3A_55 : i32
          %dma_start3A_57 = arith.constant 0 : i32
          %dma_start3A_58 = tpu.memref_slice %arg8[%add3A_56, %dma_start3A_57] : memref<32x128xi32, #tpu.memory_space<vmem>> -> memref<1x128xi32, #tpu.memory_space<vmem>>
          %dma_start3A_59 = tpu.memref_squeeze %dma_start3A_58 : memref<1x128xi32, #tpu.memory_space<vmem>> -> memref<128xi32, #tpu.memory_space<vmem>>
          %dma_start3A_60 = arith.constant 0 : i32
          %dma_start3A_61 = arith.constant 0 : i32
          %dma_start3A_62 = tpu.memref_slice %arg2[%dma_start3A_60, %dma_start3A_61] : memref<20480x128xf32, #tpu.memory_space<hbm>> -> memref<20480x128xf32, #tpu.memory_space<hbm>>
          tpu.enqueue_indirect_dma source(%dma_start3A_62 : memref<20480x128xf32, #tpu.memory_space<hbm>>) target(%arg10 : memref<128x128xf32, #tpu.memory_space<vmem>>) offsets(%dma_start3A_59 : memref<128xi32, #tpu.memory_space<vmem>>) semaphore(%arg12 : memref<!tpu.dma_semaphore, #tpu.memory_space<semaphore_mem>>)
        } else {
        }
        %dma_wait3A_47 = arith.constant 0 : i32
        %dma_wait3A_48 = tpu.memref_slice %arg8[%add3A_30, %dma_wait3A_47] : memref<32x128xi32, #tpu.memory_space<vmem>> -> memref<1x128xi32, #tpu.memory_space<vmem>>
        %dma_wait3A_49 = tpu.memref_squeeze %dma_wait3A_48 : memref<1x128xi32, #tpu.memory_space<vmem>> -> memref<128xi32, #tpu.memory_space<vmem>>
        %dma_wait3A_50 = arith.constant 0 : i32
        %dma_wait3A_51 = arith.constant 0 : i32
        %dma_wait3A_52 = tpu.memref_slice %arg2[%dma_wait3A_50, %dma_wait3A_51] : memref<20480x128xf32, #tpu.memory_space<hbm>> -> memref<20480x128xf32, #tpu.memory_space<hbm>>
        tpu.wait_indirect_dma semaphore(%arg13 : memref<!tpu.dma_semaphore, #tpu.memory_space<semaphore_mem>>) src(%dma_wait3A_52 : memref<20480x128xf32, #tpu.memory_space<hbm>>) dst(%arg11 : memref<128x128xf32, #tpu.memory_space<vmem>>)
        %add3A_53 = arith.constant 1 : i32
        %add3A_54 = arith.addi %mul3A_28, %add3A_53 : i32
        "tpu.region"() ({
          %run_scoped3A = tpu.sem_alloc : memref<!tpu.dma_semaphore, #tpu.memory_space<semaphore_mem>>
          %dma_start3A_55 = arith.constant 0 : i32
          %dma_start3A_56 = tpu.memref_slice %arg9[%add3A_54, %dma_start3A_55] : memref<32x128xi32, #tpu.memory_space<vmem>> -> memref<1x128xi32, #tpu.memory_space<vmem>>
          %dma_start3A_57 = tpu.memref_squeeze %dma_start3A_56 : memref<1x128xi32, #tpu.memory_space<vmem>> -> memref<128xi32, #tpu.memory_space<vmem>>
          %dma_start3A_58 = arith.constant 0 : i32
          %dma_start3A_59 = arith.constant 0 : i32
          %dma_start3A_60 = tpu.memref_slice %arg7[%dma_start3A_58, %dma_start3A_59] : memref<10240x128xf32, #tpu.memory_space<vmem_shared>> -> memref<10240x128xf32, #tpu.memory_space<vmem_shared>>
          tpu.enqueue_indirect_dma source(%arg11 : memref<128x128xf32, #tpu.memory_space<vmem>>) target(%dma_start3A_60 : memref<10240x128xf32, #tpu.memory_space<vmem_shared>>) offsets(%dma_start3A_57 : memref<128xi32, #tpu.memory_space<vmem>>) semaphore(%run_scoped3A : memref<!tpu.dma_semaphore, #tpu.memory_space<semaphore_mem>>) {add = true}
          %dma_wait3A_61 = arith.constant 0 : i32
          %dma_wait3A_62 = tpu.memref_slice %arg9[%add3A_54, %dma_wait3A_61] : memref<32x128xi32, #tpu.memory_space<vmem>> -> memref<1x128xi32, #tpu.memory_space<vmem>>
          %dma_wait3A_63 = tpu.memref_squeeze %dma_wait3A_62 : memref<1x128xi32, #tpu.memory_space<vmem>> -> memref<128xi32, #tpu.memory_space<vmem>>
          %dma_wait3A_64 = arith.constant 0 : i32
          %dma_wait3A_65 = arith.constant 0 : i32
          %dma_wait3A_66 = tpu.memref_slice %arg7[%dma_wait3A_64, %dma_wait3A_65] : memref<10240x128xf32, #tpu.memory_space<vmem_shared>> -> memref<10240x128xf32, #tpu.memory_space<vmem_shared>>
          tpu.wait_indirect_dma semaphore(%run_scoped3A : memref<!tpu.dma_semaphore, #tpu.memory_space<semaphore_mem>>) src(%arg11 : memref<128x128xf32, #tpu.memory_space<vmem>>) dst(%dma_wait3A_66 : memref<10240x128xf32, #tpu.memory_space<vmem_shared>>)
          tpu.yield
        }) : () -> ()
      }
      %scan3A_25 = arith.constant 16 : i32
    }
    %scan3A_7 = arith.constant 10 : i32
    %barrier3A_8 = arith.constant 0 : index
    tpu.barrier barrier_id(%barrier3A_8)
    "tpu.region"() ({
      %run_scoped3A = tpu.sem_alloc : memref<!tpu.dma_semaphore, #tpu.memory_space<semaphore_mem>>
      %dma_start3A = arith.constant 0 : i32
      %dma_start3A_9 = tpu.memref_slice %arg6[%arg0, %mul3A_2, %dma_start3A] : memref<2x10240x128xf32, #tpu.memory_space<hbm>> -> memref<1x640x128xf32, #tpu.memory_space<hbm>>
      %dma_start3A_10 = tpu.memref_squeeze %dma_start3A_9 : memref<1x640x128xf32, #tpu.memory_space<hbm>> -> memref<640x128xf32, #tpu.memory_space<hbm>>
      %dma_start3A_11 = arith.constant 0 : i32
      %dma_start3A_12 = tpu.memref_slice %arg7[%mul3A_2, %dma_start3A_11] : memref<10240x128xf32, #tpu.memory_space<vmem_shared>> -> memref<640x128xf32, #tpu.memory_space<vmem_shared>>
      tpu.enqueue_dma source(%dma_start3A_12 : memref<640x128xf32, #tpu.memory_space<vmem_shared>>) target(%dma_start3A_10 : memref<640x128xf32, #tpu.memory_space<hbm>>) target_semaphore(%run_scoped3A : memref<!tpu.dma_semaphore, #tpu.memory_space<semaphore_mem>>)
      %dma_wait3A = arith.constant 0 : i32
      %dma_wait3A_13 = tpu.memref_slice %arg6[%arg0, %mul3A_2, %dma_wait3A] : memref<2x10240x128xf32, #tpu.memory_space<hbm>> -> memref<1x640x128xf32, #tpu.memory_space<hbm>>
      %dma_wait3A_14 = tpu.memref_squeeze %dma_wait3A_13 : memref<1x640x128xf32, #tpu.memory_space<hbm>> -> memref<640x128xf32, #tpu.memory_space<hbm>>
      %dma_wait3A_15 = arith.constant 0 : i32
      %dma_wait3A_16 = tpu.memref_slice %arg7[%mul3A_2, %dma_wait3A_15] : memref<10240x128xf32, #tpu.memory_space<vmem_shared>> -> memref<640x128xf32, #tpu.memory_space<vmem_shared>>
      tpu.wait_dma2 semaphore(%run_scoped3A : memref<!tpu.dma_semaphore, #tpu.memory_space<semaphore_mem>>) src(%dma_wait3A_16 : memref<640x128xf32, #tpu.memory_space<vmem_shared>>) dst(%dma_wait3A_14 : memref<640x128xf32, #tpu.memory_space<hbm>>)
      tpu.yield
    }) : () -> ()
    return
  }
}

#map = affine_map<(d0, d1) -> (0, 0, 0)>
#map1 = affine_map<(d0, d1) -> (0)>
#map2 = affine_map<(d0, d1) -> (0, 0)>
module attributes {stable_mosaic.version = 14 : i64} {
  func.func @_sc_ppass(%arg0: i32, %arg1: i32, %arg2: memref<32x320x128xi32, #tpu.memory_space<hbm>>, %arg3: memref<32x320x128xi32, #tpu.memory_space<hbm>>, %arg4: memref<10240xi32, #tpu.memory_space<hbm>>, %arg5: memref<2x10240xf32, #tpu.memory_space<hbm>>, %arg6: memref<1310720xf32, #tpu.memory_space<hbm>>, %arg7: memref<2x1310720xf32, #tpu.memory_space<hbm>>, %arg8: memref<1310720xf32, #tpu.memory_space<vmem_shared>>, %arg9: memref<32x128xi32, #tpu.memory_space<vmem>>, %arg10: memref<32x128xi32, #tpu.memory_space<vmem>>, %arg11: memref<10240xi32, #tpu.memory_space<vmem>>, %arg12: memref<10240xf32, #tpu.memory_space<vmem>>, %arg13: memref<128xi32, #tpu.memory_space<vmem>>, %arg14: memref<128xf32, #tpu.memory_space<vmem>>, %arg15: memref<128xi32, #tpu.memory_space<vmem>>, %arg16: memref<128xf32, #tpu.memory_space<vmem>>, %arg17: memref<!tpu.dma_semaphore, #tpu.memory_space<semaphore_mem>>, %arg18: memref<!tpu.dma_semaphore, #tpu.memory_space<semaphore_mem>>) attributes {dimension_semantics = [#tpu.dimension_semantics<core_parallel>, #tpu.dimension_semantics<subcore_parallel>], iteration_bounds = array<i64: 2, 16>, scalar_prefetch = 0 : i64, scratch_operands = 11 : i64, tpu.core_type = #tpu.core_type<sc_vector_subcore>, window_params = [{transform_indices = #map}, {transform_indices = #map}, {transform_indices = #map1}, {transform_indices = #map2}, {transform_indices = #map1}, {transform_indices = #map2}]} {
    %mul3A = arith.constant 16 : i32
    %mul3A_0 = arith.muli %arg0, %mul3A : i32
    %add3A = arith.addi %mul3A_0, %arg1 : i32
    %mul3A_1 = arith.constant 81920 : i32
    %mul3A_2 = arith.muli %arg1, %mul3A_1 : i32
    "tpu.region"() ({
      %run_scoped3A = tpu.sem_alloc : memref<!tpu.dma_semaphore, #tpu.memory_space<semaphore_mem>>
      %dma_start3A = tpu.memref_slice %arg8[%mul3A_2] : memref<1310720xf32, #tpu.memory_space<vmem_shared>> -> memref<81920xf32, #tpu.memory_space<vmem_shared>>
      %dma_start3A_9 = tpu.memref_slice %arg6[%mul3A_2] : memref<1310720xf32, #tpu.memory_space<hbm>> -> memref<81920xf32, #tpu.memory_space<hbm>>
      tpu.enqueue_dma source(%dma_start3A_9 : memref<81920xf32, #tpu.memory_space<hbm>>) target(%dma_start3A : memref<81920xf32, #tpu.memory_space<vmem_shared>>) target_semaphore(%run_scoped3A : memref<!tpu.dma_semaphore, #tpu.memory_space<semaphore_mem>>)
      %dma_wait3A = tpu.memref_slice %arg8[%mul3A_2] : memref<1310720xf32, #tpu.memory_space<vmem_shared>> -> memref<81920xf32, #tpu.memory_space<vmem_shared>>
      %dma_wait3A_10 = tpu.memref_slice %arg6[%mul3A_2] : memref<1310720xf32, #tpu.memory_space<hbm>> -> memref<81920xf32, #tpu.memory_space<hbm>>
      tpu.wait_dma2 semaphore(%run_scoped3A : memref<!tpu.dma_semaphore, #tpu.memory_space<semaphore_mem>>) src(%dma_wait3A_10 : memref<81920xf32, #tpu.memory_space<hbm>>) dst(%dma_wait3A : memref<81920xf32, #tpu.memory_space<vmem_shared>>)
      tpu.yield
    }) : () -> ()
    "tpu.region"() ({
      %run_scoped3A = tpu.sem_alloc : memref<!tpu.dma_semaphore, #tpu.memory_space<semaphore_mem>>
      tpu.enqueue_dma source(%arg4 : memref<10240xi32, #tpu.memory_space<hbm>>) target(%arg11 : memref<10240xi32, #tpu.memory_space<vmem>>) target_semaphore(%run_scoped3A : memref<!tpu.dma_semaphore, #tpu.memory_space<semaphore_mem>>)
      tpu.wait_dma2 semaphore(%run_scoped3A : memref<!tpu.dma_semaphore, #tpu.memory_space<semaphore_mem>>) src(%arg4 : memref<10240xi32, #tpu.memory_space<hbm>>) dst(%arg11 : memref<10240xi32, #tpu.memory_space<vmem>>)
      tpu.yield
    }) : () -> ()
    "tpu.region"() ({
      %run_scoped3A = tpu.sem_alloc : memref<!tpu.dma_semaphore, #tpu.memory_space<semaphore_mem>>
      %dma_start3A = arith.constant 0 : i32
      %dma_start3A_9 = tpu.memref_slice %arg5[%arg0, %dma_start3A] : memref<2x10240xf32, #tpu.memory_space<hbm>> -> memref<1x10240xf32, #tpu.memory_space<hbm>>
      %dma_start3A_10 = tpu.memref_squeeze %dma_start3A_9 : memref<1x10240xf32, #tpu.memory_space<hbm>> -> memref<10240xf32, #tpu.memory_space<hbm>>
      %dma_start3A_11 = arith.constant 0 : i32
      %dma_start3A_12 = tpu.memref_slice %arg5[%arg0, %dma_start3A_11] : memref<2x10240xf32, #tpu.memory_space<hbm>> -> memref<1x10240xf32, #tpu.memory_space<hbm>>
      %dma_start3A_13 = tpu.memref_squeeze %dma_start3A_12 : memref<1x10240xf32, #tpu.memory_space<hbm>> -> memref<10240xf32, #tpu.memory_space<hbm>>
      tpu.enqueue_dma source(%dma_start3A_13 : memref<10240xf32, #tpu.memory_space<hbm>>) target(%arg12 : memref<10240xf32, #tpu.memory_space<vmem>>) target_semaphore(%run_scoped3A : memref<!tpu.dma_semaphore, #tpu.memory_space<semaphore_mem>>)
      %dma_wait3A = arith.constant 0 : i32
      %dma_wait3A_14 = tpu.memref_slice %arg5[%arg0, %dma_wait3A] : memref<2x10240xf32, #tpu.memory_space<hbm>> -> memref<1x10240xf32, #tpu.memory_space<hbm>>
      %dma_wait3A_15 = tpu.memref_squeeze %dma_wait3A_14 : memref<1x10240xf32, #tpu.memory_space<hbm>> -> memref<10240xf32, #tpu.memory_space<hbm>>
      %dma_wait3A_16 = arith.constant 0 : i32
      %dma_wait3A_17 = tpu.memref_slice %arg5[%arg0, %dma_wait3A_16] : memref<2x10240xf32, #tpu.memory_space<hbm>> -> memref<1x10240xf32, #tpu.memory_space<hbm>>
      %dma_wait3A_18 = tpu.memref_squeeze %dma_wait3A_17 : memref<1x10240xf32, #tpu.memory_space<hbm>> -> memref<10240xf32, #tpu.memory_space<hbm>>
      tpu.wait_dma2 semaphore(%run_scoped3A : memref<!tpu.dma_semaphore, #tpu.memory_space<semaphore_mem>>) src(%dma_wait3A_18 : memref<10240xf32, #tpu.memory_space<hbm>>) dst(%arg12 : memref<10240xf32, #tpu.memory_space<vmem>>)
      tpu.yield
    }) : () -> ()
    %barrier3A = arith.constant 0 : index
    tpu.barrier barrier_id(%barrier3A)
    %scan3A = arith.constant 0 : i32
    %scan3A_3 = arith.constant 0 : i32
    %scan3A_4 = arith.constant 10 : i32
    %scan3A_5 = arith.addi %scan3A_3, %scan3A_4 : i32
    %scan3A_6 = arith.constant 1 : i32
    scf.for %scan3A_9 = %scan3A_3 to %scan3A_5 step %scan3A_6  : i32 {
      %mul3A_10 = arith.constant 32 : i32
      %mul3A_11 = arith.muli %scan3A_9, %mul3A_10 : i32
      "tpu.region"() ({
        %run_scoped3A = tpu.sem_alloc : memref<!tpu.dma_semaphore, #tpu.memory_space<semaphore_mem>>
        %dma_start3A = arith.constant 0 : i32
        %dma_start3A_23 = tpu.memref_slice %arg2[%add3A, %mul3A_11, %dma_start3A] : memref<32x320x128xi32, #tpu.memory_space<hbm>> -> memref<1x32x128xi32, #tpu.memory_space<hbm>>
        %dma_start3A_24 = tpu.memref_squeeze %dma_start3A_23 : memref<1x32x128xi32, #tpu.memory_space<hbm>> -> memref<32x128xi32, #tpu.memory_space<hbm>>
        %dma_start3A_25 = arith.constant 0 : i32
        %dma_start3A_26 = tpu.memref_slice %arg2[%add3A, %mul3A_11, %dma_start3A_25] : memref<32x320x128xi32, #tpu.memory_space<hbm>> -> memref<1x32x128xi32, #tpu.memory_space<hbm>>
        %dma_start3A_27 = tpu.memref_squeeze %dma_start3A_26 : memref<1x32x128xi32, #tpu.memory_space<hbm>> -> memref<32x128xi32, #tpu.memory_space<hbm>>
        tpu.enqueue_dma source(%dma_start3A_27 : memref<32x128xi32, #tpu.memory_space<hbm>>) target(%arg9 : memref<32x128xi32, #tpu.memory_space<vmem>>) target_semaphore(%run_scoped3A : memref<!tpu.dma_semaphore, #tpu.memory_space<semaphore_mem>>)
        %dma_wait3A_28 = arith.constant 0 : i32
        %dma_wait3A_29 = tpu.memref_slice %arg2[%add3A, %mul3A_11, %dma_wait3A_28] : memref<32x320x128xi32, #tpu.memory_space<hbm>> -> memref<1x32x128xi32, #tpu.memory_space<hbm>>
        %dma_wait3A_30 = tpu.memref_squeeze %dma_wait3A_29 : memref<1x32x128xi32, #tpu.memory_space<hbm>> -> memref<32x128xi32, #tpu.memory_space<hbm>>
        %dma_wait3A_31 = arith.constant 0 : i32
        %dma_wait3A_32 = tpu.memref_slice %arg2[%add3A, %mul3A_11, %dma_wait3A_31] : memref<32x320x128xi32, #tpu.memory_space<hbm>> -> memref<1x32x128xi32, #tpu.memory_space<hbm>>
        %dma_wait3A_33 = tpu.memref_squeeze %dma_wait3A_32 : memref<1x32x128xi32, #tpu.memory_space<hbm>> -> memref<32x128xi32, #tpu.memory_space<hbm>>
        tpu.wait_dma2 semaphore(%run_scoped3A : memref<!tpu.dma_semaphore, #tpu.memory_space<semaphore_mem>>) src(%dma_wait3A_33 : memref<32x128xi32, #tpu.memory_space<hbm>>) dst(%arg9 : memref<32x128xi32, #tpu.memory_space<vmem>>)
        tpu.yield
      }) : () -> ()
      %mul3A_12 = arith.constant 32 : i32
      %mul3A_13 = arith.muli %scan3A_9, %mul3A_12 : i32
      "tpu.region"() ({
        %run_scoped3A = tpu.sem_alloc : memref<!tpu.dma_semaphore, #tpu.memory_space<semaphore_mem>>
        %dma_start3A = arith.constant 0 : i32
        %dma_start3A_23 = tpu.memref_slice %arg3[%add3A, %mul3A_13, %dma_start3A] : memref<32x320x128xi32, #tpu.memory_space<hbm>> -> memref<1x32x128xi32, #tpu.memory_space<hbm>>
        %dma_start3A_24 = tpu.memref_squeeze %dma_start3A_23 : memref<1x32x128xi32, #tpu.memory_space<hbm>> -> memref<32x128xi32, #tpu.memory_space<hbm>>
        %dma_start3A_25 = arith.constant 0 : i32
        %dma_start3A_26 = tpu.memref_slice %arg3[%add3A, %mul3A_13, %dma_start3A_25] : memref<32x320x128xi32, #tpu.memory_space<hbm>> -> memref<1x32x128xi32, #tpu.memory_space<hbm>>
        %dma_start3A_27 = tpu.memref_squeeze %dma_start3A_26 : memref<1x32x128xi32, #tpu.memory_space<hbm>> -> memref<32x128xi32, #tpu.memory_space<hbm>>
        tpu.enqueue_dma source(%dma_start3A_27 : memref<32x128xi32, #tpu.memory_space<hbm>>) target(%arg10 : memref<32x128xi32, #tpu.memory_space<vmem>>) target_semaphore(%run_scoped3A : memref<!tpu.dma_semaphore, #tpu.memory_space<semaphore_mem>>)
        %dma_wait3A_28 = arith.constant 0 : i32
        %dma_wait3A_29 = tpu.memref_slice %arg3[%add3A, %mul3A_13, %dma_wait3A_28] : memref<32x320x128xi32, #tpu.memory_space<hbm>> -> memref<1x32x128xi32, #tpu.memory_space<hbm>>
        %dma_wait3A_30 = tpu.memref_squeeze %dma_wait3A_29 : memref<1x32x128xi32, #tpu.memory_space<hbm>> -> memref<32x128xi32, #tpu.memory_space<hbm>>
        %dma_wait3A_31 = arith.constant 0 : i32
        %dma_wait3A_32 = tpu.memref_slice %arg3[%add3A, %mul3A_13, %dma_wait3A_31] : memref<32x320x128xi32, #tpu.memory_space<hbm>> -> memref<1x32x128xi32, #tpu.memory_space<hbm>>
        %dma_wait3A_33 = tpu.memref_squeeze %dma_wait3A_32 : memref<1x32x128xi32, #tpu.memory_space<hbm>> -> memref<32x128xi32, #tpu.memory_space<hbm>>
        tpu.wait_dma2 semaphore(%run_scoped3A : memref<!tpu.dma_semaphore, #tpu.memory_space<semaphore_mem>>) src(%dma_wait3A_33 : memref<32x128xi32, #tpu.memory_space<hbm>>) dst(%arg10 : memref<32x128xi32, #tpu.memory_space<vmem>>)
        tpu.yield
      }) : () -> ()
      %scan3A_14 = arith.constant 0 : i32
      %scan3A_15 = arith.constant 0 : i32
      %scan3A_16 = arith.constant 16 : i32
      %scan3A_17 = arith.addi %scan3A_15, %scan3A_16 : i32
      %scan3A_18 = arith.constant 1 : i32
      scf.for %scan3A_23 = %scan3A_15 to %scan3A_17 step %scan3A_18  : i32 {
        %mul3A_24 = arith.constant 2 : i32
        %mul3A_25 = arith.muli %mul3A_24, %scan3A_23 : i32
        %add3A_26 = arith.constant 0 : i32
        %add3A_27 = arith.addi %mul3A_25, %add3A_26 : i32
        %gt3A = arith.constant 0 : i32
        %gt3A_28 = arith.cmpi sgt, %scan3A_23, %gt3A : i32
        %convert_element_type3A = arith.extui %gt3A_28 : i1 to i32
        %cond3A = arith.constant 0 : i32
        %cond3A_29 = arith.cmpi ne, %convert_element_type3A, %cond3A : i32
        scf.if %cond3A_29 {
          %dma_wait3A_327 = arith.constant 0 : i32
          %dma_wait3A_328 = tpu.memref_slice %arg8[%dma_wait3A_327] : memref<1310720xf32, #tpu.memory_space<vmem_shared>> -> memref<1310720xf32, #tpu.memory_space<vmem_shared>>
          tpu.wait_indirect_dma semaphore(%arg17 : memref<!tpu.dma_semaphore, #tpu.memory_space<semaphore_mem>>) src(%arg14 : memref<128xf32, #tpu.memory_space<vmem>>) dst(%dma_wait3A_328 : memref<1310720xf32, #tpu.memory_space<vmem_shared>>)
        } else {
        }
        %get3A = arith.index_cast %add3A_27 : i32 to index
        %get3A_30 = arith.constant 0 : index
        %get3A_31 = tpu.vector_load %arg9[%get3A, %get3A_30] {strides = array<i32>} : memref<32x128xi32, #tpu.memory_space<vmem>>, vector<16xi32>,
        %get3A_32 = arith.index_cast %add3A_27 : i32 to index
        %get3A_33 = arith.constant 0 : index
        %get3A_34 = tpu.vector_load %arg10[%get3A_32, %get3A_33] {strides = array<i32>} : memref<32x128xi32, #tpu.memory_space<vmem>>, vector<16xi32>,
        %gather3A = tpu.vector_load_idx %arg11[%get3A_34] : memref<10240xi32, #tpu.memory_space<vmem>>[vector<16xi32>], vector<16xi32>,
        %gather3A_35 = tpu.vector_load_idx %arg12[%get3A_34] : memref<10240xf32, #tpu.memory_space<vmem>>[vector<16xi32>], vector<16xf32>,
        %mul3A_36 = arith.constant 128 : i32
        %mul3A_37 = vector.broadcast %mul3A_36 : i32 to vector<16xi32>
        %mul3A_38 = arith.muli %get3A_31, %mul3A_37 : vector<16xi32>
        %add3A_39 = arith.addi %mul3A_38, %gather3A : vector<16xi32>
        %swap3A = arith.constant 0 : index
        %swap3A_40 = tpu.vector_load %arg13[%swap3A] {strides = array<i32>} : memref<128xi32, #tpu.memory_space<vmem>>, vector<16xi32>,
        tpu.vector_store %arg13[%swap3A], %add3A_39 {strides = array<i32>} : memref<128xi32, #tpu.memory_space<vmem>>, vector<16xi32>,
        %swap3A_41 = arith.constant 0 : index
        %swap3A_42 = tpu.vector_load %arg14[%swap3A_41] {strides = array<i32>} : memref<128xf32, #tpu.memory_space<vmem>>, vector<16xf32>,
        %swap3A_43 = vector.shape_cast %swap3A_42 : vector<16xf32> to vector<16xf32>
        %swap3A_44 = vector.shape_cast %gather3A_35 : vector<16xf32> to vector<16xf32>
        tpu.vector_store %arg14[%swap3A_41], %swap3A_44 {strides = array<i32>} : memref<128xf32, #tpu.memory_space<vmem>>, vector<16xf32>,
        %get3A_45 = arith.index_cast %add3A_27 : i32 to index
        %get3A_46 = arith.constant 16 : index
        %get3A_47 = tpu.vector_load %arg9[%get3A_45, %get3A_46] {strides = array<i32>} : memref<32x128xi32, #tpu.memory_space<vmem>>, vector<16xi32>,
        %get3A_48 = arith.index_cast %add3A_27 : i32 to index
        %get3A_49 = arith.constant 16 : index
        %get3A_50 = tpu.vector_load %arg10[%get3A_48, %get3A_49] {strides = array<i32>} : memref<32x128xi32, #tpu.memory_space<vmem>>, vector<16xi32>,
        %gather3A_51 = tpu.vector_load_idx %arg11[%get3A_50] : memref<10240xi32, #tpu.memory_space<vmem>>[vector<16xi32>], vector<16xi32>,
        %gather3A_52 = tpu.vector_load_idx %arg12[%get3A_50] : memref<10240xf32, #tpu.memory_space<vmem>>[vector<16xi32>], vector<16xf32>,
        %mul3A_53 = arith.constant 128 : i32
        %mul3A_54 = vector.broadcast %mul3A_53 : i32 to vector<16xi32>
        %mul3A_55 = arith.muli %get3A_47, %mul3A_54 : vector<16xi32>
        %add3A_56 = arith.addi %mul3A_55, %gather3A_51 : vector<16xi32>
        %swap3A_57 = arith.constant 16 : index
        %swap3A_58 = tpu.vector_load %arg13[%swap3A_57] {strides = array<i32>} : memref<128xi32, #tpu.memory_space<vmem>>, vector<16xi32>,
        tpu.vector_store %arg13[%swap3A_57], %add3A_56 {strides = array<i32>} : memref<128xi32, #tpu.memory_space<vmem>>, vector<16xi32>,
        %swap3A_59 = arith.constant 16 : index
        %swap3A_60 = tpu.vector_load %arg14[%swap3A_59] {strides = array<i32>} : memref<128xf32, #tpu.memory_space<vmem>>, vector<16xf32>,
        %swap3A_61 = vector.shape_cast %swap3A_60 : vector<16xf32> to vector<16xf32>
        %swap3A_62 = vector.shape_cast %gather3A_52 : vector<16xf32> to vector<16xf32>
        tpu.vector_store %arg14[%swap3A_59], %swap3A_62 {strides = array<i32>} : memref<128xf32, #tpu.memory_space<vmem>>, vector<16xf32>,
        %get3A_63 = arith.index_cast %add3A_27 : i32 to index
        %get3A_64 = arith.constant 32 : index
        %get3A_65 = tpu.vector_load %arg9[%get3A_63, %get3A_64] {strides = array<i32>} : memref<32x128xi32, #tpu.memory_space<vmem>>, vector<16xi32>,
        %get3A_66 = arith.index_cast %add3A_27 : i32 to index
        %get3A_67 = arith.constant 32 : index
        %get3A_68 = tpu.vector_load %arg10[%get3A_66, %get3A_67] {strides = array<i32>} : memref<32x128xi32, #tpu.memory_space<vmem>>, vector<16xi32>,
        %gather3A_69 = tpu.vector_load_idx %arg11[%get3A_68] : memref<10240xi32, #tpu.memory_space<vmem>>[vector<16xi32>], vector<16xi32>,
        %gather3A_70 = tpu.vector_load_idx %arg12[%get3A_68] : memref<10240xf32, #tpu.memory_space<vmem>>[vector<16xi32>], vector<16xf32>,
        %mul3A_71 = arith.constant 128 : i32
        %mul3A_72 = vector.broadcast %mul3A_71 : i32 to vector<16xi32>
        %mul3A_73 = arith.muli %get3A_65, %mul3A_72 : vector<16xi32>
        %add3A_74 = arith.addi %mul3A_73, %gather3A_69 : vector<16xi32>
        %swap3A_75 = arith.constant 32 : index
        %swap3A_76 = tpu.vector_load %arg13[%swap3A_75] {strides = array<i32>} : memref<128xi32, #tpu.memory_space<vmem>>, vector<16xi32>,
        tpu.vector_store %arg13[%swap3A_75], %add3A_74 {strides = array<i32>} : memref<128xi32, #tpu.memory_space<vmem>>, vector<16xi32>,
        %swap3A_77 = arith.constant 32 : index
        %swap3A_78 = tpu.vector_load %arg14[%swap3A_77] {strides = array<i32>} : memref<128xf32, #tpu.memory_space<vmem>>, vector<16xf32>,
        %swap3A_79 = vector.shape_cast %swap3A_78 : vector<16xf32> to vector<16xf32>
        %swap3A_80 = vector.shape_cast %gather3A_70 : vector<16xf32> to vector<16xf32>
        tpu.vector_store %arg14[%swap3A_77], %swap3A_80 {strides = array<i32>} : memref<128xf32, #tpu.memory_space<vmem>>, vector<16xf32>,
        %get3A_81 = arith.index_cast %add3A_27 : i32 to index
        %get3A_82 = arith.constant 48 : index
        %get3A_83 = tpu.vector_load %arg9[%get3A_81, %get3A_82] {strides = array<i32>} : memref<32x128xi32, #tpu.memory_space<vmem>>, vector<16xi32>,
        %get3A_84 = arith.index_cast %add3A_27 : i32 to index
        %get3A_85 = arith.constant 48 : index
        %get3A_86 = tpu.vector_load %arg10[%get3A_84, %get3A_85] {strides = array<i32>} : memref<32x128xi32, #tpu.memory_space<vmem>>, vector<16xi32>,
        %gather3A_87 = tpu.vector_load_idx %arg11[%get3A_86] : memref<10240xi32, #tpu.memory_space<vmem>>[vector<16xi32>], vector<16xi32>,
        %gather3A_88 = tpu.vector_load_idx %arg12[%get3A_86] : memref<10240xf32, #tpu.memory_space<vmem>>[vector<16xi32>], vector<16xf32>,
        %mul3A_89 = arith.constant 128 : i32
        %mul3A_90 = vector.broadcast %mul3A_89 : i32 to vector<16xi32>
        %mul3A_91 = arith.muli %get3A_83, %mul3A_90 : vector<16xi32>
        %add3A_92 = arith.addi %mul3A_91, %gather3A_87 : vector<16xi32>
        %swap3A_93 = arith.constant 48 : index
        %swap3A_94 = tpu.vector_load %arg13[%swap3A_93] {strides = array<i32>} : memref<128xi32, #tpu.memory_space<vmem>>, vector<16xi32>,
        tpu.vector_store %arg13[%swap3A_93], %add3A_92 {strides = array<i32>} : memref<128xi32, #tpu.memory_space<vmem>>, vector<16xi32>,
        %swap3A_95 = arith.constant 48 : index
        %swap3A_96 = tpu.vector_load %arg14[%swap3A_95] {strides = array<i32>} : memref<128xf32, #tpu.memory_space<vmem>>, vector<16xf32>,
        %swap3A_97 = vector.shape_cast %swap3A_96 : vector<16xf32> to vector<16xf32>
        %swap3A_98 = vector.shape_cast %gather3A_88 : vector<16xf32> to vector<16xf32>
        tpu.vector_store %arg14[%swap3A_95], %swap3A_98 {strides = array<i32>} : memref<128xf32, #tpu.memory_space<vmem>>, vector<16xf32>,
        %get3A_99 = arith.index_cast %add3A_27 : i32 to index
        %get3A_100 = arith.constant 64 : index
        %get3A_101 = tpu.vector_load %arg9[%get3A_99, %get3A_100] {strides = array<i32>} : memref<32x128xi32, #tpu.memory_space<vmem>>, vector<16xi32>,
        %get3A_102 = arith.index_cast %add3A_27 : i32 to index
        %get3A_103 = arith.constant 64 : index
        %get3A_104 = tpu.vector_load %arg10[%get3A_102, %get3A_103] {strides = array<i32>} : memref<32x128xi32, #tpu.memory_space<vmem>>, vector<16xi32>,
        %gather3A_105 = tpu.vector_load_idx %arg11[%get3A_104] : memref<10240xi32, #tpu.memory_space<vmem>>[vector<16xi32>], vector<16xi32>,
        %gather3A_106 = tpu.vector_load_idx %arg12[%get3A_104] : memref<10240xf32, #tpu.memory_space<vmem>>[vector<16xi32>], vector<16xf32>,
        %mul3A_107 = arith.constant 128 : i32
        %mul3A_108 = vector.broadcast %mul3A_107 : i32 to vector<16xi32>
        %mul3A_109 = arith.muli %get3A_101, %mul3A_108 : vector<16xi32>
        %add3A_110 = arith.addi %mul3A_109, %gather3A_105 : vector<16xi32>
        %swap3A_111 = arith.constant 64 : index
        %swap3A_112 = tpu.vector_load %arg13[%swap3A_111] {strides = array<i32>} : memref<128xi32, #tpu.memory_space<vmem>>, vector<16xi32>,
        tpu.vector_store %arg13[%swap3A_111], %add3A_110 {strides = array<i32>} : memref<128xi32, #tpu.memory_space<vmem>>, vector<16xi32>,
        %swap3A_113 = arith.constant 64 : index
        %swap3A_114 = tpu.vector_load %arg14[%swap3A_113] {strides = array<i32>} : memref<128xf32, #tpu.memory_space<vmem>>, vector<16xf32>,
        %swap3A_115 = vector.shape_cast %swap3A_114 : vector<16xf32> to vector<16xf32>
        %swap3A_116 = vector.shape_cast %gather3A_106 : vector<16xf32> to vector<16xf32>
        tpu.vector_store %arg14[%swap3A_113], %swap3A_116 {strides = array<i32>} : memref<128xf32, #tpu.memory_space<vmem>>, vector<16xf32>,
        %get3A_117 = arith.index_cast %add3A_27 : i32 to index
        %get3A_118 = arith.constant 80 : index
        %get3A_119 = tpu.vector_load %arg9[%get3A_117, %get3A_118] {strides = array<i32>} : memref<32x128xi32, #tpu.memory_space<vmem>>, vector<16xi32>,
        %get3A_120 = arith.index_cast %add3A_27 : i32 to index
        %get3A_121 = arith.constant 80 : index
        %get3A_122 = tpu.vector_load %arg10[%get3A_120, %get3A_121] {strides = array<i32>} : memref<32x128xi32, #tpu.memory_space<vmem>>, vector<16xi32>,
        %gather3A_123 = tpu.vector_load_idx %arg11[%get3A_122] : memref<10240xi32, #tpu.memory_space<vmem>>[vector<16xi32>], vector<16xi32>,
        %gather3A_124 = tpu.vector_load_idx %arg12[%get3A_122] : memref<10240xf32, #tpu.memory_space<vmem>>[vector<16xi32>], vector<16xf32>,
        %mul3A_125 = arith.constant 128 : i32
        %mul3A_126 = vector.broadcast %mul3A_125 : i32 to vector<16xi32>
        %mul3A_127 = arith.muli %get3A_119, %mul3A_126 : vector<16xi32>
        %add3A_128 = arith.addi %mul3A_127, %gather3A_123 : vector<16xi32>
        %swap3A_129 = arith.constant 80 : index
        %swap3A_130 = tpu.vector_load %arg13[%swap3A_129] {strides = array<i32>} : memref<128xi32, #tpu.memory_space<vmem>>, vector<16xi32>,
        tpu.vector_store %arg13[%swap3A_129], %add3A_128 {strides = array<i32>} : memref<128xi32, #tpu.memory_space<vmem>>, vector<16xi32>,
        %swap3A_131 = arith.constant 80 : index
        %swap3A_132 = tpu.vector_load %arg14[%swap3A_131] {strides = array<i32>} : memref<128xf32, #tpu.memory_space<vmem>>, vector<16xf32>,
        %swap3A_133 = vector.shape_cast %swap3A_132 : vector<16xf32> to vector<16xf32>
        %swap3A_134 = vector.shape_cast %gather3A_124 : vector<16xf32> to vector<16xf32>
        tpu.vector_store %arg14[%swap3A_131], %swap3A_134 {strides = array<i32>} : memref<128xf32, #tpu.memory_space<vmem>>, vector<16xf32>,
        %get3A_135 = arith.index_cast %add3A_27 : i32 to index
        %get3A_136 = arith.constant 96 : index
        %get3A_137 = tpu.vector_load %arg9[%get3A_135, %get3A_136] {strides = array<i32>} : memref<32x128xi32, #tpu.memory_space<vmem>>, vector<16xi32>,
        %get3A_138 = arith.index_cast %add3A_27 : i32 to index
        %get3A_139 = arith.constant 96 : index
        %get3A_140 = tpu.vector_load %arg10[%get3A_138, %get3A_139] {strides = array<i32>} : memref<32x128xi32, #tpu.memory_space<vmem>>, vector<16xi32>,
        %gather3A_141 = tpu.vector_load_idx %arg11[%get3A_140] : memref<10240xi32, #tpu.memory_space<vmem>>[vector<16xi32>], vector<16xi32>,
        %gather3A_142 = tpu.vector_load_idx %arg12[%get3A_140] : memref<10240xf32, #tpu.memory_space<vmem>>[vector<16xi32>], vector<16xf32>,
        %mul3A_143 = arith.constant 128 : i32
        %mul3A_144 = vector.broadcast %mul3A_143 : i32 to vector<16xi32>
        %mul3A_145 = arith.muli %get3A_137, %mul3A_144 : vector<16xi32>
        %add3A_146 = arith.addi %mul3A_145, %gather3A_141 : vector<16xi32>
        %swap3A_147 = arith.constant 96 : index
        %swap3A_148 = tpu.vector_load %arg13[%swap3A_147] {strides = array<i32>} : memref<128xi32, #tpu.memory_space<vmem>>, vector<16xi32>,
        tpu.vector_store %arg13[%swap3A_147], %add3A_146 {strides = array<i32>} : memref<128xi32, #tpu.memory_space<vmem>>, vector<16xi32>,
        %swap3A_149 = arith.constant 96 : index
        %swap3A_150 = tpu.vector_load %arg14[%swap3A_149] {strides = array<i32>} : memref<128xf32, #tpu.memory_space<vmem>>, vector<16xf32>,
        %swap3A_151 = vector.shape_cast %swap3A_150 : vector<16xf32> to vector<16xf32>
        %swap3A_152 = vector.shape_cast %gather3A_142 : vector<16xf32> to vector<16xf32>
        tpu.vector_store %arg14[%swap3A_149], %swap3A_152 {strides = array<i32>} : memref<128xf32, #tpu.memory_space<vmem>>, vector<16xf32>,
        %get3A_153 = arith.index_cast %add3A_27 : i32 to index
        %get3A_154 = arith.constant 112 : index
        %get3A_155 = tpu.vector_load %arg9[%get3A_153, %get3A_154] {strides = array<i32>} : memref<32x128xi32, #tpu.memory_space<vmem>>, vector<16xi32>,
        %get3A_156 = arith.index_cast %add3A_27 : i32 to index
        %get3A_157 = arith.constant 112 : index
        %get3A_158 = tpu.vector_load %arg10[%get3A_156, %get3A_157] {strides = array<i32>} : memref<32x128xi32, #tpu.memory_space<vmem>>, vector<16xi32>,
        %gather3A_159 = tpu.vector_load_idx %arg11[%get3A_158] : memref<10240xi32, #tpu.memory_space<vmem>>[vector<16xi32>], vector<16xi32>,
        %gather3A_160 = tpu.vector_load_idx %arg12[%get3A_158] : memref<10240xf32, #tpu.memory_space<vmem>>[vector<16xi32>], vector<16xf32>,
        %mul3A_161 = arith.constant 128 : i32
        %mul3A_162 = vector.broadcast %mul3A_161 : i32 to vector<16xi32>
        %mul3A_163 = arith.muli %get3A_155, %mul3A_162 : vector<16xi32>
        %add3A_164 = arith.addi %mul3A_163, %gather3A_159 : vector<16xi32>
        %swap3A_165 = arith.constant 112 : index
        %swap3A_166 = tpu.vector_load %arg13[%swap3A_165] {strides = array<i32>} : memref<128xi32, #tpu.memory_space<vmem>>, vector<16xi32>,
        tpu.vector_store %arg13[%swap3A_165], %add3A_164 {strides = array<i32>} : memref<128xi32, #tpu.memory_space<vmem>>, vector<16xi32>,
        %swap3A_167 = arith.constant 112 : index
        %swap3A_168 = tpu.vector_load %arg14[%swap3A_167] {strides = array<i32>} : memref<128xf32, #tpu.memory_space<vmem>>, vector<16xf32>,
        %swap3A_169 = vector.shape_cast %swap3A_168 : vector<16xf32> to vector<16xf32>
        %swap3A_170 = vector.shape_cast %gather3A_160 : vector<16xf32> to vector<16xf32>
        tpu.vector_store %arg14[%swap3A_167], %swap3A_170 {strides = array<i32>} : memref<128xf32, #tpu.memory_space<vmem>>, vector<16xf32>,
        %dma_start3A = arith.constant 0 : i32
        %dma_start3A_171 = tpu.memref_slice %arg8[%dma_start3A] : memref<1310720xf32, #tpu.memory_space<vmem_shared>> -> memref<1310720xf32, #tpu.memory_space<vmem_shared>>
        tpu.enqueue_indirect_dma source(%arg14 : memref<128xf32, #tpu.memory_space<vmem>>) target(%dma_start3A_171 : memref<1310720xf32, #tpu.memory_space<vmem_shared>>) offsets(%arg13 : memref<128xi32, #tpu.memory_space<vmem>>) semaphore(%arg17 : memref<!tpu.dma_semaphore, #tpu.memory_space<semaphore_mem>>) {add = true}
        %mul3A_172 = arith.constant 2 : i32
        %mul3A_173 = arith.muli %mul3A_172, %scan3A_23 : i32
        %add3A_174 = arith.constant 1 : i32
        %add3A_175 = arith.addi %mul3A_173, %add3A_174 : i32
        %gt3A_176 = arith.constant 0 : i32
        %gt3A_177 = arith.cmpi sgt, %scan3A_23, %gt3A_176 : i32
        %convert_element_type3A_178 = arith.extui %gt3A_177 : i1 to i32
        %cond3A_179 = arith.constant 0 : i32
        %cond3A_180 = arith.cmpi ne, %convert_element_type3A_178, %cond3A_179 : i32
        scf.if %cond3A_180 {
          %dma_wait3A_327 = arith.constant 0 : i32
          %dma_wait3A_328 = tpu.memref_slice %arg8[%dma_wait3A_327] : memref<1310720xf32, #tpu.memory_space<vmem_shared>> -> memref<1310720xf32, #tpu.memory_space<vmem_shared>>
          tpu.wait_indirect_dma semaphore(%arg18 : memref<!tpu.dma_semaphore, #tpu.memory_space<semaphore_mem>>) src(%arg16 : memref<128xf32, #tpu.memory_space<vmem>>) dst(%dma_wait3A_328 : memref<1310720xf32, #tpu.memory_space<vmem_shared>>)
        } else {
        }
        %get3A_181 = arith.index_cast %add3A_175 : i32 to index
        %get3A_182 = arith.constant 0 : index
        %get3A_183 = tpu.vector_load %arg9[%get3A_181, %get3A_182] {strides = array<i32>} : memref<32x128xi32, #tpu.memory_space<vmem>>, vector<16xi32>,
        %get3A_184 = arith.index_cast %add3A_175 : i32 to index
        %get3A_185 = arith.constant 0 : index
        %get3A_186 = tpu.vector_load %arg10[%get3A_184, %get3A_185] {strides = array<i32>} : memref<32x128xi32, #tpu.memory_space<vmem>>, vector<16xi32>,
        %gather3A_187 = tpu.vector_load_idx %arg11[%get3A_186] : memref<10240xi32, #tpu.memory_space<vmem>>[vector<16xi32>], vector<16xi32>,
        %gather3A_188 = tpu.vector_load_idx %arg12[%get3A_186] : memref<10240xf32, #tpu.memory_space<vmem>>[vector<16xi32>], vector<16xf32>,
        %mul3A_189 = arith.constant 128 : i32
        %mul3A_190 = vector.broadcast %mul3A_189 : i32 to vector<16xi32>
        %mul3A_191 = arith.muli %get3A_183, %mul3A_190 : vector<16xi32>
        %add3A_192 = arith.addi %mul3A_191, %gather3A_187 : vector<16xi32>
        %swap3A_193 = arith.constant 0 : index
        %swap3A_194 = tpu.vector_load %arg15[%swap3A_193] {strides = array<i32>} : memref<128xi32, #tpu.memory_space<vmem>>, vector<16xi32>,
        tpu.vector_store %arg15[%swap3A_193], %add3A_192 {strides = array<i32>} : memref<128xi32, #tpu.memory_space<vmem>>, vector<16xi32>,
        %swap3A_195 = arith.constant 0 : index
        %swap3A_196 = tpu.vector_load %arg16[%swap3A_195] {strides = array<i32>} : memref<128xf32, #tpu.memory_space<vmem>>, vector<16xf32>,
        %swap3A_197 = vector.shape_cast %swap3A_196 : vector<16xf32> to vector<16xf32>
        %swap3A_198 = vector.shape_cast %gather3A_188 : vector<16xf32> to vector<16xf32>
        tpu.vector_store %arg16[%swap3A_195], %swap3A_198 {strides = array<i32>} : memref<128xf32, #tpu.memory_space<vmem>>, vector<16xf32>,
        %get3A_199 = arith.index_cast %add3A_175 : i32 to index
        %get3A_200 = arith.constant 16 : index
        %get3A_201 = tpu.vector_load %arg9[%get3A_199, %get3A_200] {strides = array<i32>} : memref<32x128xi32, #tpu.memory_space<vmem>>, vector<16xi32>,
        %get3A_202 = arith.index_cast %add3A_175 : i32 to index
        %get3A_203 = arith.constant 16 : index
        %get3A_204 = tpu.vector_load %arg10[%get3A_202, %get3A_203] {strides = array<i32>} : memref<32x128xi32, #tpu.memory_space<vmem>>, vector<16xi32>,
        %gather3A_205 = tpu.vector_load_idx %arg11[%get3A_204] : memref<10240xi32, #tpu.memory_space<vmem>>[vector<16xi32>], vector<16xi32>,
        %gather3A_206 = tpu.vector_load_idx %arg12[%get3A_204] : memref<10240xf32, #tpu.memory_space<vmem>>[vector<16xi32>], vector<16xf32>,
        %mul3A_207 = arith.constant 128 : i32
        %mul3A_208 = vector.broadcast %mul3A_207 : i32 to vector<16xi32>
        %mul3A_209 = arith.muli %get3A_201, %mul3A_208 : vector<16xi32>
        %add3A_210 = arith.addi %mul3A_209, %gather3A_205 : vector<16xi32>
        %swap3A_211 = arith.constant 16 : index
        %swap3A_212 = tpu.vector_load %arg15[%swap3A_211] {strides = array<i32>} : memref<128xi32, #tpu.memory_space<vmem>>, vector<16xi32>,
        tpu.vector_store %arg15[%swap3A_211], %add3A_210 {strides = array<i32>} : memref<128xi32, #tpu.memory_space<vmem>>, vector<16xi32>,
        %swap3A_213 = arith.constant 16 : index
        %swap3A_214 = tpu.vector_load %arg16[%swap3A_213] {strides = array<i32>} : memref<128xf32, #tpu.memory_space<vmem>>, vector<16xf32>,
        %swap3A_215 = vector.shape_cast %swap3A_214 : vector<16xf32> to vector<16xf32>
        %swap3A_216 = vector.shape_cast %gather3A_206 : vector<16xf32> to vector<16xf32>
        tpu.vector_store %arg16[%swap3A_213], %swap3A_216 {strides = array<i32>} : memref<128xf32, #tpu.memory_space<vmem>>, vector<16xf32>,
        %get3A_217 = arith.index_cast %add3A_175 : i32 to index
        %get3A_218 = arith.constant 32 : index
        %get3A_219 = tpu.vector_load %arg9[%get3A_217, %get3A_218] {strides = array<i32>} : memref<32x128xi32, #tpu.memory_space<vmem>>, vector<16xi32>,
        %get3A_220 = arith.index_cast %add3A_175 : i32 to index
        %get3A_221 = arith.constant 32 : index
        %get3A_222 = tpu.vector_load %arg10[%get3A_220, %get3A_221] {strides = array<i32>} : memref<32x128xi32, #tpu.memory_space<vmem>>, vector<16xi32>,
        %gather3A_223 = tpu.vector_load_idx %arg11[%get3A_222] : memref<10240xi32, #tpu.memory_space<vmem>>[vector<16xi32>], vector<16xi32>,
        %gather3A_224 = tpu.vector_load_idx %arg12[%get3A_222] : memref<10240xf32, #tpu.memory_space<vmem>>[vector<16xi32>], vector<16xf32>,
        %mul3A_225 = arith.constant 128 : i32
        %mul3A_226 = vector.broadcast %mul3A_225 : i32 to vector<16xi32>
        %mul3A_227 = arith.muli %get3A_219, %mul3A_226 : vector<16xi32>
        %add3A_228 = arith.addi %mul3A_227, %gather3A_223 : vector<16xi32>
        %swap3A_229 = arith.constant 32 : index
        %swap3A_230 = tpu.vector_load %arg15[%swap3A_229] {strides = array<i32>} : memref<128xi32, #tpu.memory_space<vmem>>, vector<16xi32>,
        tpu.vector_store %arg15[%swap3A_229], %add3A_228 {strides = array<i32>} : memref<128xi32, #tpu.memory_space<vmem>>, vector<16xi32>,
        %swap3A_231 = arith.constant 32 : index
        %swap3A_232 = tpu.vector_load %arg16[%swap3A_231] {strides = array<i32>} : memref<128xf32, #tpu.memory_space<vmem>>, vector<16xf32>,
        %swap3A_233 = vector.shape_cast %swap3A_232 : vector<16xf32> to vector<16xf32>
        %swap3A_234 = vector.shape_cast %gather3A_224 : vector<16xf32> to vector<16xf32>
        tpu.vector_store %arg16[%swap3A_231], %swap3A_234 {strides = array<i32>} : memref<128xf32, #tpu.memory_space<vmem>>, vector<16xf32>,
        %get3A_235 = arith.index_cast %add3A_175 : i32 to index
        %get3A_236 = arith.constant 48 : index
        %get3A_237 = tpu.vector_load %arg9[%get3A_235, %get3A_236] {strides = array<i32>} : memref<32x128xi32, #tpu.memory_space<vmem>>, vector<16xi32>,
        %get3A_238 = arith.index_cast %add3A_175 : i32 to index
        %get3A_239 = arith.constant 48 : index
        %get3A_240 = tpu.vector_load %arg10[%get3A_238, %get3A_239] {strides = array<i32>} : memref<32x128xi32, #tpu.memory_space<vmem>>, vector<16xi32>,
        %gather3A_241 = tpu.vector_load_idx %arg11[%get3A_240] : memref<10240xi32, #tpu.memory_space<vmem>>[vector<16xi32>], vector<16xi32>,
        %gather3A_242 = tpu.vector_load_idx %arg12[%get3A_240] : memref<10240xf32, #tpu.memory_space<vmem>>[vector<16xi32>], vector<16xf32>,
        %mul3A_243 = arith.constant 128 : i32
        %mul3A_244 = vector.broadcast %mul3A_243 : i32 to vector<16xi32>
        %mul3A_245 = arith.muli %get3A_237, %mul3A_244 : vector<16xi32>
        %add3A_246 = arith.addi %mul3A_245, %gather3A_241 : vector<16xi32>
        %swap3A_247 = arith.constant 48 : index
        %swap3A_248 = tpu.vector_load %arg15[%swap3A_247] {strides = array<i32>} : memref<128xi32, #tpu.memory_space<vmem>>, vector<16xi32>,
        tpu.vector_store %arg15[%swap3A_247], %add3A_246 {strides = array<i32>} : memref<128xi32, #tpu.memory_space<vmem>>, vector<16xi32>,
        %swap3A_249 = arith.constant 48 : index
        %swap3A_250 = tpu.vector_load %arg16[%swap3A_249] {strides = array<i32>} : memref<128xf32, #tpu.memory_space<vmem>>, vector<16xf32>,
        %swap3A_251 = vector.shape_cast %swap3A_250 : vector<16xf32> to vector<16xf32>
        %swap3A_252 = vector.shape_cast %gather3A_242 : vector<16xf32> to vector<16xf32>
        tpu.vector_store %arg16[%swap3A_249], %swap3A_252 {strides = array<i32>} : memref<128xf32, #tpu.memory_space<vmem>>, vector<16xf32>,
        %get3A_253 = arith.index_cast %add3A_175 : i32 to index
        %get3A_254 = arith.constant 64 : index
        %get3A_255 = tpu.vector_load %arg9[%get3A_253, %get3A_254] {strides = array<i32>} : memref<32x128xi32, #tpu.memory_space<vmem>>, vector<16xi32>,
        %get3A_256 = arith.index_cast %add3A_175 : i32 to index
        %get3A_257 = arith.constant 64 : index
        %get3A_258 = tpu.vector_load %arg10[%get3A_256, %get3A_257] {strides = array<i32>} : memref<32x128xi32, #tpu.memory_space<vmem>>, vector<16xi32>,
        %gather3A_259 = tpu.vector_load_idx %arg11[%get3A_258] : memref<10240xi32, #tpu.memory_space<vmem>>[vector<16xi32>], vector<16xi32>,
        %gather3A_260 = tpu.vector_load_idx %arg12[%get3A_258] : memref<10240xf32, #tpu.memory_space<vmem>>[vector<16xi32>], vector<16xf32>,
        %mul3A_261 = arith.constant 128 : i32
        %mul3A_262 = vector.broadcast %mul3A_261 : i32 to vector<16xi32>
        %mul3A_263 = arith.muli %get3A_255, %mul3A_262 : vector<16xi32>
        %add3A_264 = arith.addi %mul3A_263, %gather3A_259 : vector<16xi32>
        %swap3A_265 = arith.constant 64 : index
        %swap3A_266 = tpu.vector_load %arg15[%swap3A_265] {strides = array<i32>} : memref<128xi32, #tpu.memory_space<vmem>>, vector<16xi32>,
        tpu.vector_store %arg15[%swap3A_265], %add3A_264 {strides = array<i32>} : memref<128xi32, #tpu.memory_space<vmem>>, vector<16xi32>,
        %swap3A_267 = arith.constant 64 : index
        %swap3A_268 = tpu.vector_load %arg16[%swap3A_267] {strides = array<i32>} : memref<128xf32, #tpu.memory_space<vmem>>, vector<16xf32>,
        %swap3A_269 = vector.shape_cast %swap3A_268 : vector<16xf32> to vector<16xf32>
        %swap3A_270 = vector.shape_cast %gather3A_260 : vector<16xf32> to vector<16xf32>
        tpu.vector_store %arg16[%swap3A_267], %swap3A_270 {strides = array<i32>} : memref<128xf32, #tpu.memory_space<vmem>>, vector<16xf32>,
        %get3A_271 = arith.index_cast %add3A_175 : i32 to index
        %get3A_272 = arith.constant 80 : index
        %get3A_273 = tpu.vector_load %arg9[%get3A_271, %get3A_272] {strides = array<i32>} : memref<32x128xi32, #tpu.memory_space<vmem>>, vector<16xi32>,
        %get3A_274 = arith.index_cast %add3A_175 : i32 to index
        %get3A_275 = arith.constant 80 : index
        %get3A_276 = tpu.vector_load %arg10[%get3A_274, %get3A_275] {strides = array<i32>} : memref<32x128xi32, #tpu.memory_space<vmem>>, vector<16xi32>,
        %gather3A_277 = tpu.vector_load_idx %arg11[%get3A_276] : memref<10240xi32, #tpu.memory_space<vmem>>[vector<16xi32>], vector<16xi32>,
        %gather3A_278 = tpu.vector_load_idx %arg12[%get3A_276] : memref<10240xf32, #tpu.memory_space<vmem>>[vector<16xi32>], vector<16xf32>,
        %mul3A_279 = arith.constant 128 : i32
        %mul3A_280 = vector.broadcast %mul3A_279 : i32 to vector<16xi32>
        %mul3A_281 = arith.muli %get3A_273, %mul3A_280 : vector<16xi32>
        %add3A_282 = arith.addi %mul3A_281, %gather3A_277 : vector<16xi32>
        %swap3A_283 = arith.constant 80 : index
        %swap3A_284 = tpu.vector_load %arg15[%swap3A_283] {strides = array<i32>} : memref<128xi32, #tpu.memory_space<vmem>>, vector<16xi32>,
        tpu.vector_store %arg15[%swap3A_283], %add3A_282 {strides = array<i32>} : memref<128xi32, #tpu.memory_space<vmem>>, vector<16xi32>,
        %swap3A_285 = arith.constant 80 : index
        %swap3A_286 = tpu.vector_load %arg16[%swap3A_285] {strides = array<i32>} : memref<128xf32, #tpu.memory_space<vmem>>, vector<16xf32>,
        %swap3A_287 = vector.shape_cast %swap3A_286 : vector<16xf32> to vector<16xf32>
        %swap3A_288 = vector.shape_cast %gather3A_278 : vector<16xf32> to vector<16xf32>
        tpu.vector_store %arg16[%swap3A_285], %swap3A_288 {strides = array<i32>} : memref<128xf32, #tpu.memory_space<vmem>>, vector<16xf32>,
        %get3A_289 = arith.index_cast %add3A_175 : i32 to index
        %get3A_290 = arith.constant 96 : index
        %get3A_291 = tpu.vector_load %arg9[%get3A_289, %get3A_290] {strides = array<i32>} : memref<32x128xi32, #tpu.memory_space<vmem>>, vector<16xi32>,
        %get3A_292 = arith.index_cast %add3A_175 : i32 to index
        %get3A_293 = arith.constant 96 : index
        %get3A_294 = tpu.vector_load %arg10[%get3A_292, %get3A_293] {strides = array<i32>} : memref<32x128xi32, #tpu.memory_space<vmem>>, vector<16xi32>,
        %gather3A_295 = tpu.vector_load_idx %arg11[%get3A_294] : memref<10240xi32, #tpu.memory_space<vmem>>[vector<16xi32>], vector<16xi32>,
        %gather3A_296 = tpu.vector_load_idx %arg12[%get3A_294] : memref<10240xf32, #tpu.memory_space<vmem>>[vector<16xi32>], vector<16xf32>,
        %mul3A_297 = arith.constant 128 : i32
        %mul3A_298 = vector.broadcast %mul3A_297 : i32 to vector<16xi32>
        %mul3A_299 = arith.muli %get3A_291, %mul3A_298 : vector<16xi32>
        %add3A_300 = arith.addi %mul3A_299, %gather3A_295 : vector<16xi32>
        %swap3A_301 = arith.constant 96 : index
        %swap3A_302 = tpu.vector_load %arg15[%swap3A_301] {strides = array<i32>} : memref<128xi32, #tpu.memory_space<vmem>>, vector<16xi32>,
        tpu.vector_store %arg15[%swap3A_301], %add3A_300 {strides = array<i32>} : memref<128xi32, #tpu.memory_space<vmem>>, vector<16xi32>,
        %swap3A_303 = arith.constant 96 : index
        %swap3A_304 = tpu.vector_load %arg16[%swap3A_303] {strides = array<i32>} : memref<128xf32, #tpu.memory_space<vmem>>, vector<16xf32>,
        %swap3A_305 = vector.shape_cast %swap3A_304 : vector<16xf32> to vector<16xf32>
        %swap3A_306 = vector.shape_cast %gather3A_296 : vector<16xf32> to vector<16xf32>
        tpu.vector_store %arg16[%swap3A_303], %swap3A_306 {strides = array<i32>} : memref<128xf32, #tpu.memory_space<vmem>>, vector<16xf32>,
        %get3A_307 = arith.index_cast %add3A_175 : i32 to index
        %get3A_308 = arith.constant 112 : index
        %get3A_309 = tpu.vector_load %arg9[%get3A_307, %get3A_308] {strides = array<i32>} : memref<32x128xi32, #tpu.memory_space<vmem>>, vector<16xi32>,
        %get3A_310 = arith.index_cast %add3A_175 : i32 to index
        %get3A_311 = arith.constant 112 : index
        %get3A_312 = tpu.vector_load %arg10[%get3A_310, %get3A_311] {strides = array<i32>} : memref<32x128xi32, #tpu.memory_space<vmem>>, vector<16xi32>,
        %gather3A_313 = tpu.vector_load_idx %arg11[%get3A_312] : memref<10240xi32, #tpu.memory_space<vmem>>[vector<16xi32>], vector<16xi32>,
        %gather3A_314 = tpu.vector_load_idx %arg12[%get3A_312] : memref<10240xf32, #tpu.memory_space<vmem>>[vector<16xi32>], vector<16xf32>,
        %mul3A_315 = arith.constant 128 : i32
        %mul3A_316 = vector.broadcast %mul3A_315 : i32 to vector<16xi32>
        %mul3A_317 = arith.muli %get3A_309, %mul3A_316 : vector<16xi32>
        %add3A_318 = arith.addi %mul3A_317, %gather3A_313 : vector<16xi32>
        %swap3A_319 = arith.constant 112 : index
        %swap3A_320 = tpu.vector_load %arg15[%swap3A_319] {strides = array<i32>} : memref<128xi32, #tpu.memory_space<vmem>>, vector<16xi32>,
        tpu.vector_store %arg15[%swap3A_319], %add3A_318 {strides = array<i32>} : memref<128xi32, #tpu.memory_space<vmem>>, vector<16xi32>,
        %swap3A_321 = arith.constant 112 : index
        %swap3A_322 = tpu.vector_load %arg16[%swap3A_321] {strides = array<i32>} : memref<128xf32, #tpu.memory_space<vmem>>, vector<16xf32>,
        %swap3A_323 = vector.shape_cast %swap3A_322 : vector<16xf32> to vector<16xf32>
        %swap3A_324 = vector.shape_cast %gather3A_314 : vector<16xf32> to vector<16xf32>
        tpu.vector_store %arg16[%swap3A_321], %swap3A_324 {strides = array<i32>} : memref<128xf32, #tpu.memory_space<vmem>>, vector<16xf32>,
        %dma_start3A_325 = arith.constant 0 : i32
        %dma_start3A_326 = tpu.memref_slice %arg8[%dma_start3A_325] : memref<1310720xf32, #tpu.memory_space<vmem_shared>> -> memref<1310720xf32, #tpu.memory_space<vmem_shared>>
        tpu.enqueue_indirect_dma source(%arg16 : memref<128xf32, #tpu.memory_space<vmem>>) target(%dma_start3A_326 : memref<1310720xf32, #tpu.memory_space<vmem_shared>>) offsets(%arg15 : memref<128xi32, #tpu.memory_space<vmem>>) semaphore(%arg18 : memref<!tpu.dma_semaphore, #tpu.memory_space<semaphore_mem>>) {add = true}
      }
      %scan3A_19 = arith.constant 16 : i32
      %dma_wait3A = arith.constant 0 : i32
      %dma_wait3A_20 = tpu.memref_slice %arg8[%dma_wait3A] : memref<1310720xf32, #tpu.memory_space<vmem_shared>> -> memref<1310720xf32, #tpu.memory_space<vmem_shared>>
      tpu.wait_indirect_dma semaphore(%arg17 : memref<!tpu.dma_semaphore, #tpu.memory_space<semaphore_mem>>) src(%arg14 : memref<128xf32, #tpu.memory_space<vmem>>) dst(%dma_wait3A_20 : memref<1310720xf32, #tpu.memory_space<vmem_shared>>)
      %dma_wait3A_21 = arith.constant 0 : i32
      %dma_wait3A_22 = tpu.memref_slice %arg8[%dma_wait3A_21] : memref<1310720xf32, #tpu.memory_space<vmem_shared>> -> memref<1310720xf32, #tpu.memory_space<vmem_shared>>
      tpu.wait_indirect_dma semaphore(%arg18 : memref<!tpu.dma_semaphore, #tpu.memory_space<semaphore_mem>>) src(%arg16 : memref<128xf32, #tpu.memory_space<vmem>>) dst(%dma_wait3A_22 : memref<1310720xf32, #tpu.memory_space<vmem_shared>>)
    }
    %scan3A_7 = arith.constant 10 : i32
    %barrier3A_8 = arith.constant 0 : index
    tpu.barrier barrier_id(%barrier3A_8)
    "tpu.region"() ({
      %run_scoped3A = tpu.sem_alloc : memref<!tpu.dma_semaphore, #tpu.memory_space<semaphore_mem>>
      %dma_start3A = tpu.memref_slice %arg7[%arg0, %mul3A_2] : memref<2x1310720xf32, #tpu.memory_space<hbm>> -> memref<1x81920xf32, #tpu.memory_space<hbm>>
      %dma_start3A_9 = tpu.memref_squeeze %dma_start3A : memref<1x81920xf32, #tpu.memory_space<hbm>> -> memref<81920xf32, #tpu.memory_space<hbm>>
      %dma_start3A_10 = tpu.memref_slice %arg8[%mul3A_2] : memref<1310720xf32, #tpu.memory_space<vmem_shared>> -> memref<81920xf32, #tpu.memory_space<vmem_shared>>
      tpu.enqueue_dma source(%dma_start3A_10 : memref<81920xf32, #tpu.memory_space<vmem_shared>>) target(%dma_start3A_9 : memref<81920xf32, #tpu.memory_space<hbm>>) target_semaphore(%run_scoped3A : memref<!tpu.dma_semaphore, #tpu.memory_space<semaphore_mem>>)
      %dma_wait3A = tpu.memref_slice %arg7[%arg0, %mul3A_2] : memref<2x1310720xf32, #tpu.memory_space<hbm>> -> memref<1x81920xf32, #tpu.memory_space<hbm>>
      %dma_wait3A_11 = tpu.memref_squeeze %dma_wait3A : memref<1x81920xf32, #tpu.memory_space<hbm>> -> memref<81920xf32, #tpu.memory_space<hbm>>
      %dma_wait3A_12 = tpu.memref_slice %arg8[%mul3A_2] : memref<1310720xf32, #tpu.memory_space<vmem_shared>> -> memref<81920xf32, #tpu.memory_space<vmem_shared>>
      tpu.wait_dma2 semaphore(%run_scoped3A : memref<!tpu.dma_semaphore, #tpu.memory_space<semaphore_mem>>) src(%dma_wait3A_12 : memref<81920xf32, #tpu.memory_space<vmem_shared>>) dst(%dma_wait3A_11 : memref<81920xf32, #tpu.memory_space<hbm>>)
      tpu.yield
    }) : () -> ()
    return
  }
}

#map = affine_map<(d0, d1) -> (0, 0, 0)>
#map1 = affine_map<(d0, d1) -> (0)>
#map2 = affine_map<(d0, d1) -> (0, 0)>
module attributes {stable_mosaic.version = 14 : i64} {
  func.func @_sc_pass1(%arg0: i32, %arg1: i32, %arg2: memref<32x320x128xi32, #tpu.memory_space<hbm>>, %arg3: memref<16x5x128xi32, #tpu.memory_space<hbm>>, %arg4: memref<10240xf32, #tpu.memory_space<hbm>>, %arg5: memref<2x10240xf32, #tpu.memory_space<hbm>>, %arg6: memref<256xf32, #tpu.memory_space<hbm>>, %arg7: memref<10240xf32, #tpu.memory_space<vmem_shared>>, %arg8: memref<256xf32, #tpu.memory_space<vmem_shared>>, %arg9: memref<320x128xi32, #tpu.memory_space<vmem>>, %arg10: memref<5x128xi32, #tpu.memory_space<vmem>>, %arg11: memref<128xf32, #tpu.memory_space<vmem>>) attributes {dimension_semantics = [#tpu.dimension_semantics<core_parallel>, #tpu.dimension_semantics<subcore_parallel>], iteration_bounds = array<i64: 2, 16>, scalar_prefetch = 0 : i64, scratch_operands = 5 : i64, tpu.core_type = #tpu.core_type<sc_vector_subcore>, window_params = [{transform_indices = #map}, {transform_indices = #map}, {transform_indices = #map1}, {transform_indices = #map2}, {transform_indices = #map1}]} {
    %mul3A = arith.constant 16 : i32
    %mul3A_0 = arith.muli %arg0, %mul3A : i32
    %add3A = arith.addi %mul3A_0, %arg1 : i32
    %mul3A_1 = arith.constant 640 : i32
    %mul3A_2 = arith.muli %arg1, %mul3A_1 : i32
    "tpu.region"() ({
      %run_scoped3A = tpu.sem_alloc : memref<!tpu.dma_semaphore, #tpu.memory_space<semaphore_mem>>
      %dma_start3A = tpu.memref_slice %arg7[%mul3A_2] : memref<10240xf32, #tpu.memory_space<vmem_shared>> -> memref<640xf32, #tpu.memory_space<vmem_shared>>
      %dma_start3A_69 = tpu.memref_slice %arg4[%mul3A_2] : memref<10240xf32, #tpu.memory_space<hbm>> -> memref<640xf32, #tpu.memory_space<hbm>>
      tpu.enqueue_dma source(%dma_start3A_69 : memref<640xf32, #tpu.memory_space<hbm>>) target(%dma_start3A : memref<640xf32, #tpu.memory_space<vmem_shared>>) target_semaphore(%run_scoped3A : memref<!tpu.dma_semaphore, #tpu.memory_space<semaphore_mem>>)
      %dma_wait3A = tpu.memref_slice %arg7[%mul3A_2] : memref<10240xf32, #tpu.memory_space<vmem_shared>> -> memref<640xf32, #tpu.memory_space<vmem_shared>>
      %dma_wait3A_70 = tpu.memref_slice %arg4[%mul3A_2] : memref<10240xf32, #tpu.memory_space<hbm>> -> memref<640xf32, #tpu.memory_space<hbm>>
      tpu.wait_dma2 semaphore(%run_scoped3A : memref<!tpu.dma_semaphore, #tpu.memory_space<semaphore_mem>>) src(%dma_wait3A_70 : memref<640xf32, #tpu.memory_space<hbm>>) dst(%dma_wait3A : memref<640xf32, #tpu.memory_space<vmem_shared>>)
      tpu.yield
    }) : () -> ()
    %eq3A = arith.constant 0 : i32
    %eq3A_3 = arith.cmpi eq, %arg1, %eq3A : i32
    %convert_element_type3A = arith.extui %eq3A_3 : i1 to i32
    %cond3A = arith.constant 0 : i32
    %cond3A_4 = arith.cmpi ne, %convert_element_type3A, %cond3A : i32
    scf.if %cond3A_4 {
      "tpu.region"() ({
        %run_scoped3A = tpu.sem_alloc : memref<!tpu.dma_semaphore, #tpu.memory_space<semaphore_mem>>
        %dma_start3A = arith.constant 0 : i32
        %dma_start3A_69 = tpu.memref_slice %arg4[%dma_start3A] : memref<10240xf32, #tpu.memory_space<hbm>> -> memref<256xf32, #tpu.memory_space<hbm>>
        tpu.enqueue_dma source(%dma_start3A_69 : memref<256xf32, #tpu.memory_space<hbm>>) target(%arg8 : memref<256xf32, #tpu.memory_space<vmem_shared>>) target_semaphore(%run_scoped3A : memref<!tpu.dma_semaphore, #tpu.memory_space<semaphore_mem>>)
        %dma_wait3A = arith.constant 0 : i32
        %dma_wait3A_70 = tpu.memref_slice %arg4[%dma_wait3A] : memref<10240xf32, #tpu.memory_space<hbm>> -> memref<256xf32, #tpu.memory_space<hbm>>
        tpu.wait_dma2 semaphore(%run_scoped3A : memref<!tpu.dma_semaphore, #tpu.memory_space<semaphore_mem>>) src(%dma_wait3A_70 : memref<256xf32, #tpu.memory_space<hbm>>) dst(%arg8 : memref<256xf32, #tpu.memory_space<vmem_shared>>)
        tpu.yield
      }) : () -> ()
    } else {
    }
    %broadcast_in_dim3A = arith.constant 1.000000e+00 : f32
    %broadcast_in_dim3A_5 = vector.broadcast %broadcast_in_dim3A : f32 to vector<16xf32>
    %swap3A = arith.constant 0 : index
    %swap3A_6 = tpu.vector_load %arg11[%swap3A] {strides = array<i32>} : memref<128xf32, #tpu.memory_space<vmem>>, vector<16xf32>,
    %swap3A_7 = vector.shape_cast %swap3A_6 : vector<16xf32> to vector<16xf32>
    %swap3A_8 = vector.shape_cast %broadcast_in_dim3A_5 : vector<16xf32> to vector<16xf32>
    tpu.vector_store %arg11[%swap3A], %swap3A_8 {strides = array<i32>} : memref<128xf32, #tpu.memory_space<vmem>>, vector<16xf32>,
    %broadcast_in_dim3A_9 = arith.constant 1.000000e+00 : f32
    %broadcast_in_dim3A_10 = vector.broadcast %broadcast_in_dim3A_9 : f32 to vector<16xf32>
    %swap3A_11 = arith.constant 16 : index
    %swap3A_12 = tpu.vector_load %arg11[%swap3A_11] {strides = array<i32>} : memref<128xf32, #tpu.memory_space<vmem>>, vector<16xf32>,
    %swap3A_13 = vector.shape_cast %swap3A_12 : vector<16xf32> to vector<16xf32>
    %swap3A_14 = vector.shape_cast %broadcast_in_dim3A_10 : vector<16xf32> to vector<16xf32>
    tpu.vector_store %arg11[%swap3A_11], %swap3A_14 {strides = array<i32>} : memref<128xf32, #tpu.memory_space<vmem>>, vector<16xf32>,
    %broadcast_in_dim3A_15 = arith.constant 1.000000e+00 : f32
    %broadcast_in_dim3A_16 = vector.broadcast %broadcast_in_dim3A_15 : f32 to vector<16xf32>
    %swap3A_17 = arith.constant 32 : index
    %swap3A_18 = tpu.vector_load %arg11[%swap3A_17] {strides = array<i32>} : memref<128xf32, #tpu.memory_space<vmem>>, vector<16xf32>,
    %swap3A_19 = vector.shape_cast %swap3A_18 : vector<16xf32> to vector<16xf32>
    %swap3A_20 = vector.shape_cast %broadcast_in_dim3A_16 : vector<16xf32> to vector<16xf32>
    tpu.vector_store %arg11[%swap3A_17], %swap3A_20 {strides = array<i32>} : memref<128xf32, #tpu.memory_space<vmem>>, vector<16xf32>,
    %broadcast_in_dim3A_21 = arith.constant 1.000000e+00 : f32
    %broadcast_in_dim3A_22 = vector.broadcast %broadcast_in_dim3A_21 : f32 to vector<16xf32>
    %swap3A_23 = arith.constant 48 : index
    %swap3A_24 = tpu.vector_load %arg11[%swap3A_23] {strides = array<i32>} : memref<128xf32, #tpu.memory_space<vmem>>, vector<16xf32>,
    %swap3A_25 = vector.shape_cast %swap3A_24 : vector<16xf32> to vector<16xf32>
    %swap3A_26 = vector.shape_cast %broadcast_in_dim3A_22 : vector<16xf32> to vector<16xf32>
    tpu.vector_store %arg11[%swap3A_23], %swap3A_26 {strides = array<i32>} : memref<128xf32, #tpu.memory_space<vmem>>, vector<16xf32>,
    %broadcast_in_dim3A_27 = arith.constant 1.000000e+00 : f32
    %broadcast_in_dim3A_28 = vector.broadcast %broadcast_in_dim3A_27 : f32 to vector<16xf32>
    %swap3A_29 = arith.constant 64 : index
    %swap3A_30 = tpu.vector_load %arg11[%swap3A_29] {strides = array<i32>} : memref<128xf32, #tpu.memory_space<vmem>>, vector<16xf32>,
    %swap3A_31 = vector.shape_cast %swap3A_30 : vector<16xf32> to vector<16xf32>
    %swap3A_32 = vector.shape_cast %broadcast_in_dim3A_28 : vector<16xf32> to vector<16xf32>
    tpu.vector_store %arg11[%swap3A_29], %swap3A_32 {strides = array<i32>} : memref<128xf32, #tpu.memory_space<vmem>>, vector<16xf32>,
    %broadcast_in_dim3A_33 = arith.constant 1.000000e+00 : f32
    %broadcast_in_dim3A_34 = vector.broadcast %broadcast_in_dim3A_33 : f32 to vector<16xf32>
    %swap3A_35 = arith.constant 80 : index
    %swap3A_36 = tpu.vector_load %arg11[%swap3A_35] {strides = array<i32>} : memref<128xf32, #tpu.memory_space<vmem>>, vector<16xf32>,
    %swap3A_37 = vector.shape_cast %swap3A_36 : vector<16xf32> to vector<16xf32>
    %swap3A_38 = vector.shape_cast %broadcast_in_dim3A_34 : vector<16xf32> to vector<16xf32>
    tpu.vector_store %arg11[%swap3A_35], %swap3A_38 {strides = array<i32>} : memref<128xf32, #tpu.memory_space<vmem>>, vector<16xf32>,
    %broadcast_in_dim3A_39 = arith.constant 1.000000e+00 : f32
    %broadcast_in_dim3A_40 = vector.broadcast %broadcast_in_dim3A_39 : f32 to vector<16xf32>
    %swap3A_41 = arith.constant 96 : index
    %swap3A_42 = tpu.vector_load %arg11[%swap3A_41] {strides = array<i32>} : memref<128xf32, #tpu.memory_space<vmem>>, vector<16xf32>,
    %swap3A_43 = vector.shape_cast %swap3A_42 : vector<16xf32> to vector<16xf32>
    %swap3A_44 = vector.shape_cast %broadcast_in_dim3A_40 : vector<16xf32> to vector<16xf32>
    tpu.vector_store %arg11[%swap3A_41], %swap3A_44 {strides = array<i32>} : memref<128xf32, #tpu.memory_space<vmem>>, vector<16xf32>,
    %broadcast_in_dim3A_45 = arith.constant 1.000000e+00 : f32
    %broadcast_in_dim3A_46 = vector.broadcast %broadcast_in_dim3A_45 : f32 to vector<16xf32>
    %swap3A_47 = arith.constant 112 : index
    %swap3A_48 = tpu.vector_load %arg11[%swap3A_47] {strides = array<i32>} : memref<128xf32, #tpu.memory_space<vmem>>, vector<16xf32>,
    %swap3A_49 = vector.shape_cast %swap3A_48 : vector<16xf32> to vector<16xf32>
    %swap3A_50 = vector.shape_cast %broadcast_in_dim3A_46 : vector<16xf32> to vector<16xf32>
    tpu.vector_store %arg11[%swap3A_47], %swap3A_50 {strides = array<i32>} : memref<128xf32, #tpu.memory_space<vmem>>, vector<16xf32>,
    "tpu.region"() ({
      %run_scoped3A = tpu.sem_alloc : memref<!tpu.dma_semaphore, #tpu.memory_space<semaphore_mem>>
      %dma_start3A = arith.constant 0 : i32
      %dma_start3A_69 = arith.constant 0 : i32
      %dma_start3A_70 = tpu.memref_slice %arg2[%add3A, %dma_start3A, %dma_start3A_69] : memref<32x320x128xi32, #tpu.memory_space<hbm>> -> memref<1x320x128xi32, #tpu.memory_space<hbm>>
      %dma_start3A_71 = tpu.memref_squeeze %dma_start3A_70 : memref<1x320x128xi32, #tpu.memory_space<hbm>> -> memref<320x128xi32, #tpu.memory_space<hbm>>
      %dma_start3A_72 = arith.constant 0 : i32
      %dma_start3A_73 = arith.constant 0 : i32
      %dma_start3A_74 = tpu.memref_slice %arg2[%add3A, %dma_start3A_72, %dma_start3A_73] : memref<32x320x128xi32, #tpu.memory_space<hbm>> -> memref<1x320x128xi32, #tpu.memory_space<hbm>>
      %dma_start3A_75 = tpu.memref_squeeze %dma_start3A_74 : memref<1x320x128xi32, #tpu.memory_space<hbm>> -> memref<320x128xi32, #tpu.memory_space<hbm>>
      tpu.enqueue_dma source(%dma_start3A_75 : memref<320x128xi32, #tpu.memory_space<hbm>>) target(%arg9 : memref<320x128xi32, #tpu.memory_space<vmem>>) target_semaphore(%run_scoped3A : memref<!tpu.dma_semaphore, #tpu.memory_space<semaphore_mem>>)
      %dma_wait3A = arith.constant 0 : i32
      %dma_wait3A_76 = arith.constant 0 : i32
      %dma_wait3A_77 = tpu.memref_slice %arg2[%add3A, %dma_wait3A, %dma_wait3A_76] : memref<32x320x128xi32, #tpu.memory_space<hbm>> -> memref<1x320x128xi32, #tpu.memory_space<hbm>>
      %dma_wait3A_78 = tpu.memref_squeeze %dma_wait3A_77 : memref<1x320x128xi32, #tpu.memory_space<hbm>> -> memref<320x128xi32, #tpu.memory_space<hbm>>
      %dma_wait3A_79 = arith.constant 0 : i32
      %dma_wait3A_80 = arith.constant 0 : i32
      %dma_wait3A_81 = tpu.memref_slice %arg2[%add3A, %dma_wait3A_79, %dma_wait3A_80] : memref<32x320x128xi32, #tpu.memory_space<hbm>> -> memref<1x320x128xi32, #tpu.memory_space<hbm>>
      %dma_wait3A_82 = tpu.memref_squeeze %dma_wait3A_81 : memref<1x320x128xi32, #tpu.memory_space<hbm>> -> memref<320x128xi32, #tpu.memory_space<hbm>>
      tpu.wait_dma2 semaphore(%run_scoped3A : memref<!tpu.dma_semaphore, #tpu.memory_space<semaphore_mem>>) src(%dma_wait3A_82 : memref<320x128xi32, #tpu.memory_space<hbm>>) dst(%arg9 : memref<320x128xi32, #tpu.memory_space<vmem>>)
      tpu.yield
    }) : () -> ()
    "tpu.region"() ({
      %run_scoped3A = tpu.sem_alloc : memref<!tpu.dma_semaphore, #tpu.memory_space<semaphore_mem>>
      %dma_start3A = arith.constant 0 : i32
      %dma_start3A_69 = arith.constant 0 : i32
      %dma_start3A_70 = tpu.memref_slice %arg3[%arg1, %dma_start3A, %dma_start3A_69] : memref<16x5x128xi32, #tpu.memory_space<hbm>> -> memref<1x5x128xi32, #tpu.memory_space<hbm>>
      %dma_start3A_71 = tpu.memref_squeeze %dma_start3A_70 : memref<1x5x128xi32, #tpu.memory_space<hbm>> -> memref<5x128xi32, #tpu.memory_space<hbm>>
      %dma_start3A_72 = arith.constant 0 : i32
      %dma_start3A_73 = arith.constant 0 : i32
      %dma_start3A_74 = tpu.memref_slice %arg3[%arg1, %dma_start3A_72, %dma_start3A_73] : memref<16x5x128xi32, #tpu.memory_space<hbm>> -> memref<1x5x128xi32, #tpu.memory_space<hbm>>
      %dma_start3A_75 = tpu.memref_squeeze %dma_start3A_74 : memref<1x5x128xi32, #tpu.memory_space<hbm>> -> memref<5x128xi32, #tpu.memory_space<hbm>>
      tpu.enqueue_dma source(%dma_start3A_75 : memref<5x128xi32, #tpu.memory_space<hbm>>) target(%arg10 : memref<5x128xi32, #tpu.memory_space<vmem>>) target_semaphore(%run_scoped3A : memref<!tpu.dma_semaphore, #tpu.memory_space<semaphore_mem>>)
      %dma_wait3A = arith.constant 0 : i32
      %dma_wait3A_76 = arith.constant 0 : i32
      %dma_wait3A_77 = tpu.memref_slice %arg3[%arg1, %dma_wait3A, %dma_wait3A_76] : memref<16x5x128xi32, #tpu.memory_space<hbm>> -> memref<1x5x128xi32, #tpu.memory_space<hbm>>
      %dma_wait3A_78 = tpu.memref_squeeze %dma_wait3A_77 : memref<1x5x128xi32, #tpu.memory_space<hbm>> -> memref<5x128xi32, #tpu.memory_space<hbm>>
      %dma_wait3A_79 = arith.constant 0 : i32
      %dma_wait3A_80 = arith.constant 0 : i32
      %dma_wait3A_81 = tpu.memref_slice %arg3[%arg1, %dma_wait3A_79, %dma_wait3A_80] : memref<16x5x128xi32, #tpu.memory_space<hbm>> -> memref<1x5x128xi32, #tpu.memory_space<hbm>>
      %dma_wait3A_82 = tpu.memref_squeeze %dma_wait3A_81 : memref<1x5x128xi32, #tpu.memory_space<hbm>> -> memref<5x128xi32, #tpu.memory_space<hbm>>
      tpu.wait_dma2 semaphore(%run_scoped3A : memref<!tpu.dma_semaphore, #tpu.memory_space<semaphore_mem>>) src(%dma_wait3A_82 : memref<5x128xi32, #tpu.memory_space<hbm>>) dst(%arg10 : memref<5x128xi32, #tpu.memory_space<vmem>>)
      tpu.yield
    }) : () -> ()
    %barrier3A = arith.constant 0 : index
    tpu.barrier barrier_id(%barrier3A)
    %scan3A = arith.constant 0 : i32
    %scan3A_51 = arith.constant 0 : i32
    %scan3A_52 = arith.constant 320 : i32
    %scan3A_53 = arith.addi %scan3A_51, %scan3A_52 : i32
    %scan3A_54 = arith.constant 1 : i32
    scf.for %scan3A_69 = %scan3A_51 to %scan3A_53 step %scan3A_54  : i32 {
      "tpu.region"() ({
        %run_scoped3A = tpu.sem_alloc : memref<!tpu.dma_semaphore, #tpu.memory_space<semaphore_mem>>
        %dma_start3A = arith.constant 0 : i32
        %dma_start3A_70 = tpu.memref_slice %arg9[%scan3A_69, %dma_start3A] : memref<320x128xi32, #tpu.memory_space<vmem>> -> memref<1x128xi32, #tpu.memory_space<vmem>>
        %dma_start3A_71 = tpu.memref_squeeze %dma_start3A_70 : memref<1x128xi32, #tpu.memory_space<vmem>> -> memref<128xi32, #tpu.memory_space<vmem>>
        %dma_start3A_72 = arith.constant 0 : i32
        %dma_start3A_73 = tpu.memref_slice %arg7[%dma_start3A_72] : memref<10240xf32, #tpu.memory_space<vmem_shared>> -> memref<10240xf32, #tpu.memory_space<vmem_shared>>
        tpu.enqueue_indirect_dma source(%arg11 : memref<128xf32, #tpu.memory_space<vmem>>) target(%dma_start3A_73 : memref<10240xf32, #tpu.memory_space<vmem_shared>>) offsets(%dma_start3A_71 : memref<128xi32, #tpu.memory_space<vmem>>) semaphore(%run_scoped3A : memref<!tpu.dma_semaphore, #tpu.memory_space<semaphore_mem>>) {add = true}
        %dma_wait3A = arith.constant 0 : i32
        %dma_wait3A_74 = tpu.memref_slice %arg9[%scan3A_69, %dma_wait3A] : memref<320x128xi32, #tpu.memory_space<vmem>> -> memref<1x128xi32, #tpu.memory_space<vmem>>
        %dma_wait3A_75 = tpu.memref_squeeze %dma_wait3A_74 : memref<1x128xi32, #tpu.memory_space<vmem>> -> memref<128xi32, #tpu.memory_space<vmem>>
        %dma_wait3A_76 = arith.constant 0 : i32
        %dma_wait3A_77 = tpu.memref_slice %arg7[%dma_wait3A_76] : memref<10240xf32, #tpu.memory_space<vmem_shared>> -> memref<10240xf32, #tpu.memory_space<vmem_shared>>
        tpu.wait_indirect_dma semaphore(%run_scoped3A : memref<!tpu.dma_semaphore, #tpu.memory_space<semaphore_mem>>) src(%arg11 : memref<128xf32, #tpu.memory_space<vmem>>) dst(%dma_wait3A_77 : memref<10240xf32, #tpu.memory_space<vmem_shared>>)
        tpu.yield
      }) : () -> ()
    }
    %scan3A_55 = arith.constant 320 : i32
    %eq3A_56 = arith.constant 0 : i32
    %eq3A_57 = arith.cmpi eq, %arg0, %eq3A_56 : i32
    %convert_element_type3A_58 = arith.extui %eq3A_57 : i1 to i32
    %cond3A_59 = arith.constant 0 : i32
    %cond3A_60 = arith.cmpi ne, %convert_element_type3A_58, %cond3A_59 : i32
    scf.if %cond3A_60 {
      %scan3A_69 = arith.constant 0 : i32
      %scan3A_70 = arith.constant 0 : i32
      %scan3A_71 = arith.constant 5 : i32
      %scan3A_72 = arith.addi %scan3A_70, %scan3A_71 : i32
      %scan3A_73 = arith.constant 1 : i32
      scf.for %scan3A_75 = %scan3A_70 to %scan3A_72 step %scan3A_73  : i32 {
        "tpu.region"() ({
          %run_scoped3A = tpu.sem_alloc : memref<!tpu.dma_semaphore, #tpu.memory_space<semaphore_mem>>
          %dma_start3A = arith.constant 0 : i32
          %dma_start3A_76 = tpu.memref_slice %arg10[%scan3A_75, %dma_start3A] : memref<5x128xi32, #tpu.memory_space<vmem>> -> memref<1x128xi32, #tpu.memory_space<vmem>>
          %dma_start3A_77 = tpu.memref_squeeze %dma_start3A_76 : memref<1x128xi32, #tpu.memory_space<vmem>> -> memref<128xi32, #tpu.memory_space<vmem>>
          %dma_start3A_78 = arith.constant 0 : i32
          %dma_start3A_79 = tpu.memref_slice %arg8[%dma_start3A_78] : memref<256xf32, #tpu.memory_space<vmem_shared>> -> memref<256xf32, #tpu.memory_space<vmem_shared>>
          tpu.enqueue_indirect_dma source(%arg11 : memref<128xf32, #tpu.memory_space<vmem>>) target(%dma_start3A_79 : memref<256xf32, #tpu.memory_space<vmem_shared>>) offsets(%dma_start3A_77 : memref<128xi32, #tpu.memory_space<vmem>>) semaphore(%run_scoped3A : memref<!tpu.dma_semaphore, #tpu.memory_space<semaphore_mem>>) {add = true}
          %dma_wait3A = arith.constant 0 : i32
          %dma_wait3A_80 = tpu.memref_slice %arg10[%scan3A_75, %dma_wait3A] : memref<5x128xi32, #tpu.memory_space<vmem>> -> memref<1x128xi32, #tpu.memory_space<vmem>>
          %dma_wait3A_81 = tpu.memref_squeeze %dma_wait3A_80 : memref<1x128xi32, #tpu.memory_space<vmem>> -> memref<128xi32, #tpu.memory_space<vmem>>
          %dma_wait3A_82 = arith.constant 0 : i32
          %dma_wait3A_83 = tpu.memref_slice %arg8[%dma_wait3A_82] : memref<256xf32, #tpu.memory_space<vmem_shared>> -> memref<256xf32, #tpu.memory_space<vmem_shared>>
          tpu.wait_indirect_dma semaphore(%run_scoped3A : memref<!tpu.dma_semaphore, #tpu.memory_space<semaphore_mem>>) src(%arg11 : memref<128xf32, #tpu.memory_space<vmem>>) dst(%dma_wait3A_83 : memref<256xf32, #tpu.memory_space<vmem_shared>>)
          tpu.yield
        }) : () -> ()
      }
      %scan3A_74 = arith.constant 5 : i32
    } else {
    }
    %barrier3A_61 = arith.constant 0 : index
    tpu.barrier barrier_id(%barrier3A_61)
    %eq3A_62 = arith.constant 0 : i32
    %eq3A_63 = arith.cmpi eq, %arg0, %eq3A_62 : i32
    %eq3A_64 = arith.constant 0 : i32
    %eq3A_65 = arith.cmpi eq, %arg1, %eq3A_64 : i32
    %and3A = arith.andi %eq3A_63, %eq3A_65 : i1
    %convert_element_type3A_66 = arith.extui %and3A : i1 to i32
    %cond3A_67 = arith.constant 0 : i32
    %cond3A_68 = arith.cmpi ne, %convert_element_type3A_66, %cond3A_67 : i32
    scf.if %cond3A_68 {
      "tpu.region"() ({
        %run_scoped3A = tpu.sem_alloc : memref<!tpu.dma_semaphore, #tpu.memory_space<semaphore_mem>>
        tpu.enqueue_dma source(%arg8 : memref<256xf32, #tpu.memory_space<vmem_shared>>) target(%arg6 : memref<256xf32, #tpu.memory_space<hbm>>) target_semaphore(%run_scoped3A : memref<!tpu.dma_semaphore, #tpu.memory_space<semaphore_mem>>)
        tpu.wait_dma2 semaphore(%run_scoped3A : memref<!tpu.dma_semaphore, #tpu.memory_space<semaphore_mem>>) src(%arg8 : memref<256xf32, #tpu.memory_space<vmem_shared>>) dst(%arg6 : memref<256xf32, #tpu.memory_space<hbm>>)
        tpu.yield
      }) : () -> ()
    } else {
    }
    "tpu.region"() ({
      %run_scoped3A = tpu.sem_alloc : memref<!tpu.dma_semaphore, #tpu.memory_space<semaphore_mem>>
      %dma_start3A = tpu.memref_slice %arg5[%arg0, %mul3A_2] : memref<2x10240xf32, #tpu.memory_space<hbm>> -> memref<1x640xf32, #tpu.memory_space<hbm>>
      %dma_start3A_69 = tpu.memref_squeeze %dma_start3A : memref<1x640xf32, #tpu.memory_space<hbm>> -> memref<640xf32, #tpu.memory_space<hbm>>
      %dma_start3A_70 = tpu.memref_slice %arg7[%mul3A_2] : memref<10240xf32, #tpu.memory_space<vmem_shared>> -> memref<640xf32, #tpu.memory_space<vmem_shared>>
      tpu.enqueue_dma source(%dma_start3A_70 : memref<640xf32, #tpu.memory_space<vmem_shared>>) target(%dma_start3A_69 : memref<640xf32, #tpu.memory_space<hbm>>) target_semaphore(%run_scoped3A : memref<!tpu.dma_semaphore, #tpu.memory_space<semaphore_mem>>)
      %dma_wait3A = tpu.memref_slice %arg5[%arg0, %mul3A_2] : memref<2x10240xf32, #tpu.memory_space<hbm>> -> memref<1x640xf32, #tpu.memory_space<hbm>>
      %dma_wait3A_71 = tpu.memref_squeeze %dma_wait3A : memref<1x640xf32, #tpu.memory_space<hbm>> -> memref<640xf32, #tpu.memory_space<hbm>>
      %dma_wait3A_72 = tpu.memref_slice %arg7[%mul3A_2] : memref<10240xf32, #tpu.memory_space<vmem_shared>> -> memref<640xf32, #tpu.memory_space<vmem_shared>>
      tpu.wait_dma2 semaphore(%run_scoped3A : memref<!tpu.dma_semaphore, #tpu.memory_space<semaphore_mem>>) src(%dma_wait3A_72 : memref<640xf32, #tpu.memory_space<vmem_shared>>) dst(%dma_wait3A_71 : memref<640xf32, #tpu.memory_space<hbm>>)
      tpu.yield
    }) : () -> ()
    return
  }
}

module attributes {stable_mosaic.version = 14 : i64} {
  func.func @body(%arg0: memref<10240x128xf32, #tpu.memory_space<vmem>>, %arg1: memref<2x128x128xf32, #tpu.memory_space<vmem>>, %arg2: memref<2x10240x1xf32, #tpu.memory_space<vmem>>, %arg3: memref<1x256xf32, #tpu.memory_space<vmem>>, %arg4: memref<2x10240x1xf32, #tpu.memory_space<vmem>>, %arg5: memref<2x10240x128xf32, #tpu.memory_space<vmem>>, %arg6: memref<1x128xi32, #tpu.memory_space<vmem>>, %arg7: memref<10240x1xf32, #tpu.memory_space<vmem>>) attributes {dimension_semantics = [], scalar_prefetch = 0 : i64, scratch_operands = 0 : i64, tpu.core_type = #tpu.core_type<tc>} {
    %get3A = arith.constant 0 : index
    %get3A_0 = arith.constant 0 : index
    %get3A_1 = vector.load %arg3[%get3A, %get3A_0] : memref<1x256xf32, #tpu.memory_space<vmem>>, vector<1x128xf32>
    %iota3A = tpu.iota {dimensions = array<i32: 0>} : vector<128x128xi32>
    %iota3A_2 = tpu.iota {dimensions = array<i32: 1>} : vector<128x128xi32>
    %lt3A = arith.cmpi slt, %iota3A, %iota3A_2 : vector<128x128xi32>
    %convert_element_type3A = arith.extui %lt3A : vector<128x128xi1> to vector<128x128xi32>
    %convert_element_type3A_3 = arith.sitofp %convert_element_type3A : vector<128x128xi32> to vector<128x128xf32>
    %dot_general3A = arith.constant dense<0.000000e+00> : vector<1x128xf32>
    %dot_general3A_4 = tpu.matmul %get3A_1, %convert_element_type3A_3, %dot_general3A {dimension_numbers = #tpu.dot_dimension_numbers<[1], [0], [0], [1], [0, 0, 1, 1], [], []>, transpose_lhs_hint = false} : vector<1x128xf32>, vector<128x128xf32>, vector<1x128xf32> -> vector<1x128xf32>
    %convert_element_type3A_5 = arith.fptosi %dot_general3A_4 : vector<1x128xf32> to vector<1x128xi32>
    %swap3A = arith.constant 0 : index
    %swap3A_6 = arith.constant 0 : index
    %swap3A_7 = vector.load %arg6[%swap3A, %swap3A_6] : memref<1x128xi32, #tpu.memory_space<vmem>>, vector<1x128xi32>
    tpu.vector_store %arg6[%swap3A, %swap3A_6], %convert_element_type3A_5 {strides = array<i32>} : memref<1x128xi32, #tpu.memory_space<vmem>>, vector<1x128xi32>,
    %iota3A_8 = tpu.iota {dimensions = array<i32: 0>} : vector<10240x1xi32>
    %eq3A = vector.broadcast %iota3A_8 : vector<10240x1xi32> to vector<10240x128xi32>
    %eq3A_9 = vector.broadcast %convert_element_type3A_5 : vector<1x128xi32> to vector<10240x128xi32>
    %eq3A_10 = arith.cmpi eq, %eq3A, %eq3A_9 : vector<10240x128xi32>
    %convert_element_type3A_11 = arith.extui %eq3A_10 : vector<10240x128xi1> to vector<10240x128xi32>
    %convert_element_type3A_12 = arith.sitofp %convert_element_type3A_11 : vector<10240x128xi32> to vector<10240x128xf32>
    %reduce_sum3A = arith.constant dense<0.000000e+00> : vector<10240xf32>
    %reduce_sum3A_13 = vector.multi_reduction <add>, %convert_element_type3A_12, %reduce_sum3A [1] : vector<10240x128xf32> to vector<10240xf32>
    %broadcast_in_dim3A = vector.shape_cast %reduce_sum3A_13 : vector<10240xf32> to vector<10240x1xf32>
    %swap3A_14 = arith.constant 0 : index
    %swap3A_15 = arith.constant 0 : index
    %swap3A_16 = vector.load %arg7[%swap3A_14, %swap3A_15] : memref<10240x1xf32, #tpu.memory_space<vmem>>, vector<10240x1xf32>
    tpu.vector_store %arg7[%swap3A_14, %swap3A_15], %broadcast_in_dim3A {strides = array<i32>} : memref<10240x1xf32, #tpu.memory_space<vmem>>, vector<10240x1xf32>,
    %le3A = arith.constant 10000 : i32
    %le3A_17 = vector.broadcast %le3A : i32 to vector<10240x1xi32>
    %le3A_18 = arith.cmpi sle, %iota3A_8, %le3A_17 : vector<10240x1xi32>
    %eq3A_19 = arith.constant 10000 : i32
    %eq3A_20 = vector.broadcast %eq3A_19 : i32 to vector<10240x1xi32>
    %eq3A_21 = arith.cmpi eq, %iota3A_8, %eq3A_20 : vector<10240x1xi32>
    %convert_element_type3A_22 = arith.extui %eq3A_21 : vector<10240x1xi1> to vector<10240x1xi32>
    %convert_element_type3A_23 = arith.sitofp %convert_element_type3A_22 : vector<10240x1xi32> to vector<10240x1xf32>
    %get3A_24 = arith.constant 0 : index
    %get3A_25 = arith.constant 0 : index
    %get3A_26 = vector.load %arg0[%get3A_24, %get3A_25] : memref<10240x128xf32, #tpu.memory_space<vmem>>, vector<10240x128xf32>
    %get3A_27 = arith.constant 0 : index
    %get3A_28 = arith.constant 0 : index
    %get3A_29 = arith.constant 0 : index
    %get3A_30 = vector.load %arg2[%get3A_27, %get3A_28, %get3A_29] : memref<2x10240x1xf32, #tpu.memory_space<vmem>>, vector<1x10240x1xf32>
    %get3A_31 = vector.shape_cast %get3A_30 : vector<1x10240x1xf32> to vector<10240x1xf32>
    %add3A = arith.constant 1.000000e+00 : f32
    %add3A_32 = vector.broadcast %add3A : f32 to vector<10240x1xf32>
    %add3A_33 = arith.addf %get3A_31, %add3A_32 : vector<10240x1xf32>
    %add3A_34 = arith.addf %add3A_33, %broadcast_in_dim3A : vector<10240x1xf32>
    %rsqrt3A = math.rsqrt %add3A_34 : vector<10240x1xf32>
    %jit3A = arith.constant 0.000000e+00 : f32
    %broadcast_in_dim3A_35 = vector.broadcast %jit3A : f32 to vector<10240x1xf32>
    %select_n3A = arith.select %le3A_18, %rsqrt3A, %broadcast_in_dim3A_35 : vector<10240x1xi1>, vector<10240x1xf32>
    %swap3A_36 = arith.constant 0 : index
    %swap3A_37 = arith.constant 0 : index
    %swap3A_38 = arith.constant 0 : index
    %swap3A_39 = vector.load %arg4[%swap3A_36, %swap3A_37, %swap3A_38] : memref<2x10240x1xf32, #tpu.memory_space<vmem>>, vector<1x10240x1xf32>
    %swap3A_40 = vector.shape_cast %swap3A_39 : vector<1x10240x1xf32> to vector<10240x1xf32>
    %swap3A_41 = vector.shape_cast %select_n3A : vector<10240x1xf32> to vector<1x10240x1xf32>
    tpu.vector_store %arg4[%swap3A_36, %swap3A_37, %swap3A_38], %swap3A_41 {strides = array<i32>} : memref<2x10240x1xf32, #tpu.memory_space<vmem>>, vector<1x10240x1xf32>,
    %get3A_42 = arith.constant 0 : index
    %get3A_43 = arith.constant 0 : index
    %get3A_44 = arith.constant 0 : index
    %get3A_45 = vector.load %arg1[%get3A_42, %get3A_43, %get3A_44] : memref<2x128x128xf32, #tpu.memory_space<vmem>>, vector<1x128x128xf32>
    %get3A_46 = vector.shape_cast %get3A_45 : vector<1x128x128xf32> to vector<128x128xf32>
    %dot_general3A_47 = arith.constant dense<0.000000e+00> : vector<10240x128xf32>
    %dot_general3A_48 = tpu.matmul %get3A_26, %get3A_46, %dot_general3A_47 {dimension_numbers = #tpu.dot_dimension_numbers<[1], [0], [0], [1], [0, 0, 1, 1], [], []>, transpose_lhs_hint = false} : vector<10240x128xf32>, vector<128x128xf32>, vector<10240x128xf32> -> vector<10240x128xf32>
    %mul3A = vector.broadcast %select_n3A : vector<10240x1xf32> to vector<10240x128xf32>
    %mul3A_49 = arith.mulf %dot_general3A_48, %mul3A : vector<10240x128xf32>
    %swap3A_50 = arith.constant 0 : index
    %swap3A_51 = arith.constant 0 : index
    %swap3A_52 = arith.constant 0 : index
    %swap3A_53 = vector.load %arg5[%swap3A_50, %swap3A_51, %swap3A_52] : memref<2x10240x128xf32, #tpu.memory_space<vmem>>, vector<1x10240x128xf32>
    %swap3A_54 = vector.shape_cast %swap3A_53 : vector<1x10240x128xf32> to vector<10240x128xf32>
    %swap3A_55 = vector.shape_cast %mul3A_49 : vector<10240x128xf32> to vector<1x10240x128xf32>
    tpu.vector_store %arg5[%swap3A_50, %swap3A_51, %swap3A_52], %swap3A_55 {strides = array<i32>} : memref<2x10240x128xf32, #tpu.memory_space<vmem>>, vector<1x10240x128xf32>,
    %get3A_56 = arith.constant 1 : index
    %get3A_57 = arith.constant 0 : index
    %get3A_58 = arith.constant 0 : index
    %get3A_59 = vector.load %arg2[%get3A_56, %get3A_57, %get3A_58] : memref<2x10240x1xf32, #tpu.memory_space<vmem>>, vector<1x10240x1xf32>
    %get3A_60 = vector.shape_cast %get3A_59 : vector<1x10240x1xf32> to vector<10240x1xf32>
    %add3A_61 = arith.constant 1.000000e+00 : f32
    %add3A_62 = vector.broadcast %add3A_61 : f32 to vector<10240x1xf32>
    %add3A_63 = arith.addf %get3A_60, %add3A_62 : vector<10240x1xf32>
    %mul3A_64 = arith.constant 1.280000e+02 : f32
    %mul3A_65 = vector.broadcast %mul3A_64 : f32 to vector<10240x1xf32>
    %mul3A_66 = arith.mulf %mul3A_65, %convert_element_type3A_23 : vector<10240x1xf32>
    %add3A_67 = arith.addf %add3A_63, %mul3A_66 : vector<10240x1xf32>
    %rsqrt3A_68 = math.rsqrt %add3A_67 : vector<10240x1xf32>
    %jit3A_69 = arith.constant 0.000000e+00 : f32
    %broadcast_in_dim3A_70 = vector.broadcast %jit3A_69 : f32 to vector<10240x1xf32>
    %select_n3A_71 = arith.select %le3A_18, %rsqrt3A_68, %broadcast_in_dim3A_70 : vector<10240x1xi1>, vector<10240x1xf32>
    %swap3A_72 = arith.constant 1 : index
    %swap3A_73 = arith.constant 0 : index
    %swap3A_74 = arith.constant 0 : index
    %swap3A_75 = vector.load %arg4[%swap3A_72, %swap3A_73, %swap3A_74] : memref<2x10240x1xf32, #tpu.memory_space<vmem>>, vector<1x10240x1xf32>
    %swap3A_76 = vector.shape_cast %swap3A_75 : vector<1x10240x1xf32> to vector<10240x1xf32>
    %swap3A_77 = vector.shape_cast %select_n3A_71 : vector<10240x1xf32> to vector<1x10240x1xf32>
    tpu.vector_store %arg4[%swap3A_72, %swap3A_73, %swap3A_74], %swap3A_77 {strides = array<i32>} : memref<2x10240x1xf32, #tpu.memory_space<vmem>>, vector<1x10240x1xf32>,
    %get3A_78 = arith.constant 1 : index
    %get3A_79 = arith.constant 0 : index
    %get3A_80 = arith.constant 0 : index
    %get3A_81 = vector.load %arg1[%get3A_78, %get3A_79, %get3A_80] : memref<2x128x128xf32, #tpu.memory_space<vmem>>, vector<1x128x128xf32>
    %get3A_82 = vector.shape_cast %get3A_81 : vector<1x128x128xf32> to vector<128x128xf32>
    %dot_general3A_83 = arith.constant dense<0.000000e+00> : vector<10240x128xf32>
    %dot_general3A_84 = tpu.matmul %get3A_26, %get3A_82, %dot_general3A_83 {dimension_numbers = #tpu.dot_dimension_numbers<[1], [0], [0], [1], [0, 0, 1, 1], [], []>, transpose_lhs_hint = false} : vector<10240x128xf32>, vector<128x128xf32>, vector<10240x128xf32> -> vector<10240x128xf32>
    %mul3A_85 = vector.broadcast %select_n3A_71 : vector<10240x1xf32> to vector<10240x128xf32>
    %mul3A_86 = arith.mulf %dot_general3A_84, %mul3A_85 : vector<10240x128xf32>
    %swap3A_87 = arith.constant 1 : index
    %swap3A_88 = arith.constant 0 : index
    %swap3A_89 = arith.constant 0 : index
    %swap3A_90 = vector.load %arg5[%swap3A_87, %swap3A_88, %swap3A_89] : memref<2x10240x128xf32, #tpu.memory_space<vmem>>, vector<1x10240x128xf32>
    %swap3A_91 = vector.shape_cast %swap3A_90 : vector<1x10240x128xf32> to vector<10240x128xf32>
    %swap3A_92 = vector.shape_cast %mul3A_86 : vector<10240x128xf32> to vector<1x10240x128xf32>
    tpu.vector_store %arg5[%swap3A_87, %swap3A_88, %swap3A_89], %swap3A_92 {strides = array<i32>} : memref<2x10240x128xf32, #tpu.memory_space<vmem>>, vector<1x10240x128xf32>,
    return
  }
}

module attributes {stable_mosaic.version = 14 : i64} {
  func.func @body(%arg0: memref<10240x128xf32, #tpu.memory_space<vmem>>, %arg1: memref<10240x128xf32, #tpu.memory_space<vmem>>, %arg2: memref<10240x1xf32, #tpu.memory_space<vmem>>, %arg3: memref<10240x1xf32, #tpu.memory_space<vmem>>, %arg4: memref<128x128xf32, #tpu.memory_space<vmem>>, %arg5: memref<1x128xf32, #tpu.memory_space<vmem>>, %arg6: memref<1x128xf32, #tpu.memory_space<vmem>>, %arg7: memref<10240x128xf32, #tpu.memory_space<vmem>>, %arg8: memref<128x1xf32, #tpu.memory_space<vmem>>, %arg9: memref<128x128xf32, #tpu.memory_space<vmem>>) attributes {dimension_semantics = [], scalar_prefetch = 0 : i64, scratch_operands = 0 : i64, tpu.core_type = #tpu.core_type<tc>} {
    %get3A = arith.constant 0 : index
    %get3A_0 = arith.constant 0 : index
    %get3A_1 = vector.load %arg3[%get3A, %get3A_0] : memref<10240x1xf32, #tpu.memory_space<vmem>>, vector<10240x1xf32>
    %get3A_2 = arith.constant 0 : index
    %get3A_3 = arith.constant 0 : index
    %get3A_4 = vector.load %arg0[%get3A_2, %get3A_3] : memref<10240x128xf32, #tpu.memory_space<vmem>>, vector<10240x128xf32>
    %get3A_5 = arith.constant 0 : index
    %get3A_6 = arith.constant 0 : index
    %get3A_7 = vector.load %arg1[%get3A_5, %get3A_6] : memref<10240x128xf32, #tpu.memory_space<vmem>>, vector<10240x128xf32>
    %get3A_8 = arith.constant 0 : index
    %get3A_9 = arith.constant 0 : index
    %get3A_10 = vector.load %arg2[%get3A_8, %get3A_9] : memref<10240x1xf32, #tpu.memory_space<vmem>>, vector<10240x1xf32>
    %slice3A = vector.extract_strided_slice %get3A_7 {offsets = [10000, 0], sizes = [1, 128], strides = [1, 1]} : vector<10240x128xf32> to vector<1x128xf32>
    %mul3A = vector.broadcast %get3A_1 : vector<10240x1xf32> to vector<10240x128xf32>
    %mul3A_11 = vector.broadcast %slice3A : vector<1x128xf32> to vector<10240x128xf32>
    %mul3A_12 = arith.mulf %mul3A, %mul3A_11 : vector<10240x128xf32>
    %add3A = arith.addf %get3A_4, %mul3A_12 : vector<10240x128xf32>
    %add3A_13 = arith.addf %add3A, %get3A_7 : vector<10240x128xf32>
    %mul3A_14 = vector.broadcast %get3A_10 : vector<10240x1xf32> to vector<10240x128xf32>
    %mul3A_15 = arith.mulf %mul3A_14, %add3A_13 : vector<10240x128xf32>
    %get3A_16 = arith.constant 0 : index
    %get3A_17 = arith.constant 0 : index
    %get3A_18 = vector.load %arg5[%get3A_16, %get3A_17] : memref<1x128xf32, #tpu.memory_space<vmem>>, vector<1x128xf32>
    %add3A_19 = vector.broadcast %get3A_18 : vector<1x128xf32> to vector<10240x128xf32>
    %add3A_20 = arith.addf %mul3A_15, %add3A_19 : vector<10240x128xf32>
    %max3A = arith.constant 0.000000e+00 : f32
    %max3A_21 = vector.broadcast %max3A : f32 to vector<10240x128xf32>
    %max3A_22 = arith.maximumf %add3A_20, %max3A_21 : vector<10240x128xf32>
    %get3A_23 = arith.constant 0 : index
    %get3A_24 = arith.constant 0 : index
    %get3A_25 = vector.load %arg4[%get3A_23, %get3A_24] : memref<128x128xf32, #tpu.memory_space<vmem>>, vector<128x128xf32>
    %dot_general3A = arith.constant dense<0.000000e+00> : vector<10240x128xf32>
    %dot_general3A_26 = tpu.matmul %max3A_22, %get3A_25, %dot_general3A {dimension_numbers = #tpu.dot_dimension_numbers<[1], [0], [0], [1], [0, 0, 1, 1], [], []>, transpose_lhs_hint = false} : vector<10240x128xf32>, vector<128x128xf32>, vector<10240x128xf32> -> vector<10240x128xf32>
    %mul3A_27 = vector.broadcast %get3A_10 : vector<10240x1xf32> to vector<10240x128xf32>
    %mul3A_28 = arith.mulf %mul3A_27, %dot_general3A_26 : vector<10240x128xf32>
    %slice3A_29 = vector.extract_strided_slice %get3A_1 {offsets = [10000, 0], sizes = [1, 1], strides = [1, 1]} : vector<10240x1xf32> to vector<1x1xf32>
    %slice3A_30 = vector.extract_strided_slice %mul3A_28 {offsets = [10000, 0], sizes = [1, 128], strides = [1, 1]} : vector<10240x128xf32> to vector<1x128xf32>
    %mul3A_31 = vector.broadcast %slice3A_29 : vector<1x1xf32> to vector<1x128xf32>
    %mul3A_32 = arith.mulf %mul3A_31, %slice3A_30 : vector<1x128xf32>
    %slice3A_33 = vector.extract_strided_slice %get3A_10 {offsets = [10000, 0], sizes = [1, 1], strides = [1, 1]} : vector<10240x1xf32> to vector<1x1xf32>
    %mul3A_34 = vector.broadcast %slice3A_33 : vector<1x1xf32> to vector<1x128xf32>
    %mul3A_35 = arith.mulf %mul3A_34, %mul3A_32 : vector<1x128xf32>
    %mul3A_36 = arith.mulf %slice3A_33, %slice3A_33 : vector<1x1xf32>
    %slice3A_37 = vector.extract_strided_slice %dot_general3A_26 {offsets = [10000, 0], sizes = [1, 128], strides = [1, 1]} : vector<10240x128xf32> to vector<1x128xf32>
    %mul3A_38 = vector.broadcast %mul3A_36 : vector<1x1xf32> to vector<1x128xf32>
    %mul3A_39 = arith.mulf %mul3A_38, %slice3A_37 : vector<1x128xf32>
    %add3A_40 = arith.addf %mul3A_35, %mul3A_39 : vector<1x128xf32>
    %get3A_41 = arith.constant 0 : index
    %get3A_42 = arith.constant 0 : index
    %get3A_43 = vector.load %arg6[%get3A_41, %get3A_42] : memref<1x128xf32, #tpu.memory_space<vmem>>, vector<1x128xf32>
    %add3A_44 = arith.addf %add3A_40, %get3A_43 : vector<1x128xf32>
    %get3A_45 = arith.constant 0 : index
    %get3A_46 = arith.constant 0 : index
    %get3A_47 = vector.load %arg7[%get3A_45, %get3A_46] : memref<10240x128xf32, #tpu.memory_space<vmem>>, vector<10240x128xf32>
    %dot_general3A_48 = arith.constant dense<0.000000e+00> : vector<128x128xf32>
    %dot_general3A_49 = tpu.matmul %get3A_47, %mul3A_28, %dot_general3A_48 {dimension_numbers = #tpu.dot_dimension_numbers<[0], [0], [1], [1], [0, 1, 1, 1], [], []>, transpose_lhs_hint = false} : vector<10240x128xf32>, vector<10240x128xf32>, vector<128x128xf32> -> vector<128x128xf32>
    %get3A_50 = arith.constant 0 : index
    %get3A_51 = arith.constant 0 : index
    %get3A_52 = vector.load %arg8[%get3A_50, %get3A_51] : memref<128x1xf32, #tpu.memory_space<vmem>>, vector<128x1xf32>
    %get3A_53 = arith.constant 0 : index
    %get3A_54 = arith.constant 0 : index
    %get3A_55 = vector.load %arg6[%get3A_53, %get3A_54] : memref<1x128xf32, #tpu.memory_space<vmem>>, vector<1x128xf32>
    %mul3A_56 = vector.broadcast %get3A_52 : vector<128x1xf32> to vector<128x128xf32>
    %mul3A_57 = vector.broadcast %get3A_55 : vector<1x128xf32> to vector<128x128xf32>
    %mul3A_58 = arith.mulf %mul3A_56, %mul3A_57 : vector<128x128xf32>
    %add3A_59 = arith.addf %dot_general3A_49, %mul3A_58 : vector<128x128xf32>
    %add3A_60 = vector.broadcast %add3A_44 : vector<1x128xf32> to vector<128x128xf32>
    %add3A_61 = arith.addf %add3A_59, %add3A_60 : vector<128x128xf32>
    %swap3A = arith.constant 0 : index
    %swap3A_62 = arith.constant 0 : index
    %swap3A_63 = vector.load %arg9[%swap3A, %swap3A_62] : memref<128x128xf32, #tpu.memory_space<vmem>>, vector<128x128xf32>
    tpu.vector_store %arg9[%swap3A, %swap3A_62], %add3A_61 {strides = array<i32>} : memref<128x128xf32, #tpu.memory_space<vmem>>, vector<128x128xf32>,
    return
  }
}

module attributes {stable_mosaic.version = 14 : i64} {
  func.func @body(%arg0: memref<10240x128xf32, #tpu.memory_space<vmem>>, %arg1: memref<10240x128xf32, #tpu.memory_space<vmem>>, %arg2: memref<10240x1xf32, #tpu.memory_space<vmem>>, %arg3: memref<10240x1xf32, #tpu.memory_space<vmem>>, %arg4: memref<128x128xf32, #tpu.memory_space<vmem>>, %arg5: memref<1x128xf32, #tpu.memory_space<vmem>>, %arg6: memref<1x128xf32, #tpu.memory_space<vmem>>, %arg7: memref<10240x128xf32, #tpu.memory_space<vmem>>, %arg8: memref<128x1xf32, #tpu.memory_space<vmem>>, %arg9: memref<128x128xf32, #tpu.memory_space<vmem>>) attributes {dimension_semantics = [], scalar_prefetch = 0 : i64, scratch_operands = 0 : i64, tpu.core_type = #tpu.core_type<tc>} {
    %get3A = arith.constant 0 : index
    %get3A_0 = arith.constant 0 : index
    %get3A_1 = vector.load %arg3[%get3A, %get3A_0] : memref<10240x1xf32, #tpu.memory_space<vmem>>, vector<10240x1xf32>
    %get3A_2 = arith.constant 0 : index
    %get3A_3 = arith.constant 0 : index
    %get3A_4 = vector.load %arg0[%get3A_2, %get3A_3] : memref<10240x128xf32, #tpu.memory_space<vmem>>, vector<10240x128xf32>
    %get3A_5 = arith.constant 0 : index
    %get3A_6 = arith.constant 0 : index
    %get3A_7 = vector.load %arg1[%get3A_5, %get3A_6] : memref<10240x128xf32, #tpu.memory_space<vmem>>, vector<10240x128xf32>
    %get3A_8 = arith.constant 0 : index
    %get3A_9 = arith.constant 0 : index
    %get3A_10 = vector.load %arg2[%get3A_8, %get3A_9] : memref<10240x1xf32, #tpu.memory_space<vmem>>, vector<10240x1xf32>
    %iota3A = tpu.iota {dimensions = array<i32: 0>} : vector<10240x1xi32>
    %mul3A = vector.broadcast %get3A_1 : vector<10240x1xf32> to vector<10240x128xf32>
    %mul3A_11 = arith.mulf %mul3A, %get3A_7 : vector<10240x128xf32>
    %reduce_sum3A = arith.constant dense<0.000000e+00> : vector<128xf32>
    %reduce_sum3A_12 = vector.multi_reduction <add>, %mul3A_11, %reduce_sum3A [0] : vector<10240x128xf32> to vector<128xf32>
    %broadcast_in_dim3A = vector.shape_cast %reduce_sum3A_12 : vector<128xf32> to vector<1x128xf32>
    %eq3A = arith.constant 10000 : i32
    %eq3A_13 = vector.broadcast %eq3A : i32 to vector<10240x1xi32>
    %eq3A_14 = arith.cmpi eq, %iota3A, %eq3A_13 : vector<10240x1xi32>
    %convert_element_type3A = arith.extui %eq3A_14 : vector<10240x1xi1> to vector<10240x1xi32>
    %convert_element_type3A_15 = arith.sitofp %convert_element_type3A : vector<10240x1xi32> to vector<10240x1xf32>
    %mul3A_16 = vector.broadcast %convert_element_type3A_15 : vector<10240x1xf32> to vector<10240x128xf32>
    %mul3A_17 = vector.broadcast %broadcast_in_dim3A : vector<1x128xf32> to vector<10240x128xf32>
    %mul3A_18 = arith.mulf %mul3A_16, %mul3A_17 : vector<10240x128xf32>
    %add3A = arith.addf %get3A_4, %mul3A_18 : vector<10240x128xf32>
    %add3A_19 = arith.addf %add3A, %get3A_7 : vector<10240x128xf32>
    %mul3A_20 = vector.broadcast %get3A_10 : vector<10240x1xf32> to vector<10240x128xf32>
    %mul3A_21 = arith.mulf %mul3A_20, %add3A_19 : vector<10240x128xf32>
    %get3A_22 = arith.constant 0 : index
    %get3A_23 = arith.constant 0 : index
    %get3A_24 = vector.load %arg5[%get3A_22, %get3A_23] : memref<1x128xf32, #tpu.memory_space<vmem>>, vector<1x128xf32>
    %add3A_25 = vector.broadcast %get3A_24 : vector<1x128xf32> to vector<10240x128xf32>
    %add3A_26 = arith.addf %mul3A_21, %add3A_25 : vector<10240x128xf32>
    %max3A = arith.constant 0.000000e+00 : f32
    %max3A_27 = vector.broadcast %max3A : f32 to vector<10240x128xf32>
    %max3A_28 = arith.maximumf %add3A_26, %max3A_27 : vector<10240x128xf32>
    %get3A_29 = arith.constant 0 : index
    %get3A_30 = arith.constant 0 : index
    %get3A_31 = vector.load %arg4[%get3A_29, %get3A_30] : memref<128x128xf32, #tpu.memory_space<vmem>>, vector<128x128xf32>
    %dot_general3A = arith.constant dense<0.000000e+00> : vector<10240x128xf32>
    %dot_general3A_32 = tpu.matmul %max3A_28, %get3A_31, %dot_general3A {dimension_numbers = #tpu.dot_dimension_numbers<[1], [0], [0], [1], [0, 0, 1, 1], [], []>, transpose_lhs_hint = false} : vector<10240x128xf32>, vector<128x128xf32>, vector<10240x128xf32> -> vector<10240x128xf32>
    %mul3A_33 = vector.broadcast %get3A_10 : vector<10240x1xf32> to vector<10240x128xf32>
    %mul3A_34 = arith.mulf %mul3A_33, %dot_general3A_32 : vector<10240x128xf32>
    %mul3A_35 = vector.broadcast %get3A_1 : vector<10240x1xf32> to vector<10240x128xf32>
    %mul3A_36 = arith.mulf %mul3A_35, %mul3A_34 : vector<10240x128xf32>
    %reduce_sum3A_37 = arith.constant dense<0.000000e+00> : vector<128xf32>
    %reduce_sum3A_38 = vector.multi_reduction <add>, %mul3A_36, %reduce_sum3A_37 [0] : vector<10240x128xf32> to vector<128xf32>
    %broadcast_in_dim3A_39 = vector.shape_cast %reduce_sum3A_38 : vector<128xf32> to vector<1x128xf32>
    %slice3A = vector.extract_strided_slice %get3A_10 {offsets = [10000, 0], sizes = [1, 1], strides = [1, 1]} : vector<10240x1xf32> to vector<1x1xf32>
    %mul3A_40 = vector.broadcast %slice3A : vector<1x1xf32> to vector<1x128xf32>
    %mul3A_41 = arith.mulf %mul3A_40, %broadcast_in_dim3A_39 : vector<1x128xf32>
    %mul3A_42 = arith.mulf %slice3A, %slice3A : vector<1x1xf32>
    %slice3A_43 = vector.extract_strided_slice %dot_general3A_32 {offsets = [10000, 0], sizes = [1, 128], strides = [1, 1]} : vector<10240x128xf32> to vector<1x128xf32>
    %mul3A_44 = vector.broadcast %mul3A_42 : vector<1x1xf32> to vector<1x128xf32>
    %mul3A_45 = arith.mulf %mul3A_44, %slice3A_43 : vector<1x128xf32>
    %add3A_46 = arith.addf %mul3A_41, %mul3A_45 : vector<1x128xf32>
    %get3A_47 = arith.constant 0 : index
    %get3A_48 = arith.constant 0 : index
    %get3A_49 = vector.load %arg6[%get3A_47, %get3A_48] : memref<1x128xf32, #tpu.memory_space<vmem>>, vector<1x128xf32>
    %add3A_50 = arith.addf %add3A_46, %get3A_49 : vector<1x128xf32>
    %get3A_51 = arith.constant 0 : index
    %get3A_52 = arith.constant 0 : index
    %get3A_53 = vector.load %arg7[%get3A_51, %get3A_52] : memref<10240x128xf32, #tpu.memory_space<vmem>>, vector<10240x128xf32>
    %dot_general3A_54 = arith.constant dense<0.000000e+00> : vector<128x128xf32>
    %dot_general3A_55 = tpu.matmul %get3A_53, %mul3A_34, %dot_general3A_54 {dimension_numbers = #tpu.dot_dimension_numbers<[0], [0], [1], [1], [0, 1, 1, 1], [], []>, transpose_lhs_hint = false} : vector<10240x128xf32>, vector<10240x128xf32>, vector<128x128xf32> -> vector<128x128xf32>
    %get3A_56 = arith.constant 0 : index
    %get3A_57 = arith.constant 0 : index
    %get3A_58 = vector.load %arg8[%get3A_56, %get3A_57] : memref<128x1xf32, #tpu.memory_space<vmem>>, vector<128x1xf32>
    %get3A_59 = arith.constant 0 : index
    %get3A_60 = arith.constant 0 : index
    %get3A_61 = vector.load %arg6[%get3A_59, %get3A_60] : memref<1x128xf32, #tpu.memory_space<vmem>>, vector<1x128xf32>
    %mul3A_62 = vector.broadcast %get3A_58 : vector<128x1xf32> to vector<128x128xf32>
    %mul3A_63 = vector.broadcast %get3A_61 : vector<1x128xf32> to vector<128x128xf32>
    %mul3A_64 = arith.mulf %mul3A_62, %mul3A_63 : vector<128x128xf32>
    %add3A_65 = arith.addf %dot_general3A_55, %mul3A_64 : vector<128x128xf32>
    %add3A_66 = vector.broadcast %add3A_50 : vector<1x128xf32> to vector<128x128xf32>
    %add3A_67 = arith.addf %add3A_65, %add3A_66 : vector<128x128xf32>
    %swap3A = arith.constant 0 : index
    %swap3A_68 = arith.constant 0 : index
    %swap3A_69 = vector.load %arg9[%swap3A, %swap3A_68] : memref<128x128xf32, #tpu.memory_space<vmem>>, vector<128x128xf32>
    tpu.vector_store %arg9[%swap3A, %swap3A_68], %add3A_67 {strides = array<i32>} : memref<128x128xf32, #tpu.memory_space<vmem>>, vector<128x128xf32>,
    return
  }
}

module attributes {stable_mosaic.version = 14 : i64} {
  func.func @body(%arg0: memref<128x128xf32, #tpu.memory_space<vmem>>, %arg1: memref<128x128xf32, #tpu.memory_space<vmem>>, %arg2: memref<256x256xf32, #tpu.memory_space<vmem>>, %arg3: memref<1x256xf32, #tpu.memory_space<vmem>>, %arg4: memref<256x128xf32, #tpu.memory_space<vmem>>, %arg5: memref<1x128xf32, #tpu.memory_space<vmem>>, %arg6: memref<128x128xf32, #tpu.memory_space<vmem>>) attributes {dimension_semantics = [], scalar_prefetch = 0 : i64, scratch_operands = 0 : i64, tpu.core_type = #tpu.core_type<tc>} {
    %get3A = arith.constant 0 : index
    %get3A_0 = arith.constant 0 : index
    %get3A_1 = vector.load %arg1[%get3A, %get3A_0] : memref<128x128xf32, #tpu.memory_space<vmem>>, vector<128x128xf32>
    %get3A_2 = arith.constant 0 : index
    %get3A_3 = arith.constant 0 : index
    %get3A_4 = vector.load %arg0[%get3A_2, %get3A_3] : memref<128x128xf32, #tpu.memory_space<vmem>>, vector<128x128xf32>
    %concatenate3A = tpu.concatenate %get3A_1, %get3A_4 in 1 : vector<128x128xf32>, vector<128x128xf32> -> vector<128x256xf32>
    %get3A_5 = arith.constant 0 : index
    %get3A_6 = arith.constant 0 : index
    %get3A_7 = vector.load %arg2[%get3A_5, %get3A_6] : memref<256x256xf32, #tpu.memory_space<vmem>>, vector<256x256xf32>
    %dot_general3A = arith.constant dense<0.000000e+00> : vector<128x256xf32>
    %dot_general3A_8 = tpu.matmul %concatenate3A, %get3A_7, %dot_general3A {dimension_numbers = #tpu.dot_dimension_numbers<[1], [0], [0], [1], [0, 0, 1, 1], [], []>, transpose_lhs_hint = false} : vector<128x256xf32>, vector<256x256xf32>, vector<128x256xf32> -> vector<128x256xf32>
    %get3A_9 = arith.constant 0 : index
    %get3A_10 = arith.constant 0 : index
    %get3A_11 = vector.load %arg3[%get3A_9, %get3A_10] : memref<1x256xf32, #tpu.memory_space<vmem>>, vector<1x256xf32>
    %add3A = vector.broadcast %get3A_11 : vector<1x256xf32> to vector<128x256xf32>
    %add3A_12 = arith.addf %dot_general3A_8, %add3A : vector<128x256xf32>
    %max3A = arith.constant 0.000000e+00 : f32
    %max3A_13 = vector.broadcast %max3A : f32 to vector<128x256xf32>
    %max3A_14 = arith.maximumf %add3A_12, %max3A_13 : vector<128x256xf32>
    %get3A_15 = arith.constant 0 : index
    %get3A_16 = arith.constant 0 : index
    %get3A_17 = vector.load %arg4[%get3A_15, %get3A_16] : memref<256x128xf32, #tpu.memory_space<vmem>>, vector<256x128xf32>
    %dot_general3A_18 = arith.constant dense<0.000000e+00> : vector<128x128xf32>
    %dot_general3A_19 = tpu.matmul %max3A_14, %get3A_17, %dot_general3A_18 {dimension_numbers = #tpu.dot_dimension_numbers<[1], [0], [0], [1], [0, 0, 1, 1], [], []>, transpose_lhs_hint = false} : vector<128x256xf32>, vector<256x128xf32>, vector<128x128xf32> -> vector<128x128xf32>
    %get3A_20 = arith.constant 0 : index
    %get3A_21 = arith.constant 0 : index
    %get3A_22 = vector.load %arg5[%get3A_20, %get3A_21] : memref<1x128xf32, #tpu.memory_space<vmem>>, vector<1x128xf32>
    %add3A_23 = vector.broadcast %get3A_22 : vector<1x128xf32> to vector<128x128xf32>
    %add3A_24 = arith.addf %dot_general3A_19, %add3A_23 : vector<128x128xf32>
    %swap3A = arith.constant 0 : index
    %swap3A_25 = arith.constant 0 : index
    %swap3A_26 = vector.load %arg6[%swap3A, %swap3A_25] : memref<128x128xf32, #tpu.memory_space<vmem>>, vector<128x128xf32>
    tpu.vector_store %arg6[%swap3A, %swap3A_25], %add3A_24 {strides = array<i32>} : memref<128x128xf32, #tpu.memory_space<vmem>>, vector<128x128xf32>,
    return
  }
}

</mosaic_0001>

<sc_bundles>
// kernel: kernel.12.cloned.1.call-start
scs
__scs_entry_jumppad:
0x0: {  	(pc) =	sbr.rel $0x88, $3  }
0x1: {  	(tag) =	ssettag $0x0;
	lr =	simm.s32 $0x1  }
0x2: {  	[smem:$0x3F91] =	sst lr;
	_ =	strace $0xD0000000  }
0x3: {  	_ = 	snop  }
0x4: {  	_ = 	snop  }
0x5: {  	_ = 	snop  }
0x6: {  	_ = 	snop  }
0x7: {  	_ = 	snop  }
__scs_overlays_trampoline_lowered:
0x8: {  	[smem:$0x3FA0] =	sst s0  }
0x9: {  	[smem:$0x3FA1] =	sst s1  }
0xa: {  	[smem:$0x3FA2] =	sst s2  }
0xb: {  	[smem:$0x3FA3] =	sst s3  }
0xc: {  	[smem:$0x3FA4] =	sst s4  }
0xd: {  	[smem:$0x3FA5] =	sst s5  }
0xe: {  	[smem:$0x3FA6] =	sst s6  }
0xf: {  	[smem:$0x3FA7] =	sst s7  }
0x10: {  	[smem:$0x3FA8] =	sst s8  }
0x11: {  	[smem:$0x3FA9] =	sst s9;
	s0 =	simm.s32 @!p0 $0x0  }
0x12: {  	s1 =	sld [smem:$0x3F8F];
	s0 =	simm.s32 @p0 $0x1  }
0x13: {  	[smem:$0x3FAA] =	sst s0;
	s0 =	simm.s32 @!p1 $0x0  }
0x14: {  	s2 =	sld [smem:$0x3F8E];
	s0 =	simm.s32 @p1 $0x1  }
0x15: {  	[smem:$0x3FAB] =	sst s0;
	s0 =	simm.s32 @!p2 $0x0  }
0x16: {  	s3 =	sld [smem:$0x3FDB];
	s0 =	simm.s32 @p2 $0x1  }
0x17: {  	s4 =	simm.s32 $0x1BF5;
	[smem:$0x3FAD] =	sst s0  }
0x18: {  	s0 =	sld [smem:$0x3F90];
	_ =	swait.ge [sflag:s4], $0x0  }
0x19: {  	s7 =	sld [smem:$0x3F91]  }
0x1a: {  	s8 =	sadd.s32 $0xFFFFE003, lr  }
0x1b: {  	s9 =	sadd.s32 $0xFFFFFEF7, lr;
	s5 =	simm.s32 $0xFFFFFFFF;
	p2 =	slt.u32 s8, $0xFFFFF086  }
0x1c: {  	p1 =	slt.u32 s9, $0xF7A;
	s5 =	simm.s32 @!p2 $0x0  }
0x1d: {  	s5 =	simm.s32 @p1 $0x1;
	p0 =	seq.s32 s7, s2  }
0x1e: {  	s7 =	smul.u32 @!p0 $0xF7A, s2;
	p2 =	seq.s32 @!p0 s5, $0x0  }
0x1f: {  	s9 =	smul.u32 $0xF7A, s1;
	s8 =	simm.s32 @!p0 $0x1BF5;
	p2 =	por !p2, p0  }
0x20: {  	[sflag:s8] =	ssyncset.s32 @!p0 $0xFFFFF086;
	s6 =	sadd.s32 @!p0 s3, s7;
	s7 =	simm.s32 @!p0 $0x108  }
0x21: {  	s3 =	sadd.s32 s3, s9;
	s6 =	sadd.s32 @!p0 $0x88, s6;
	s7 =	simm.s32 @p2 $0x1082  }
0x22: {  	[simem:s7], [sflag:s8] =	dma.local @!p0 [hbm:s6], $0xF7A  }
0x23: {  	s9 =	sor.u32 $0xD0000000, s2;
	s6 =	simm.s32 $0x108;
	_ =	swait.ge @!p0 [sflag:s8], $0x0  }
0x24: {  	s3 =	sadd.s32 $0x88, s3;
	s6 =	simm.s32 @!p1 $0x1082;
	[sflag:s4] =	ssyncset.s32 $0xFFFFF086  }
0x25: {  	[simem:s6], [sflag:s4] =	dma.local [hbm:s3], $0xF7A  }
0x26: {  	[smem:$0x3F91] =	sst s1;
	(tag) =	ssettag s2;
	_ =	strace s9  }
0x27: {  	s1 =	sld [smem:$0x3FA1]  }
0x28: {  	s2 =	sld [smem:$0x3FA2]  }
0x29: {  	s4 =	sld [smem:$0x3FA4]  }
0x2a: {  	p0 =	seq.s32 s5, $0x0;
	s5 =	sld [smem:$0x3FA5]  }
0x2b: {  	s6 =	sld [smem:$0x3FA6]  }
0x2c: {  	s7 =	sld [smem:$0x3FA7]  }
0x2d: {  	s3 =	simm.s32 $0x108;
	s8 =	sld [smem:$0x3FA8]  }
0x2e: {  	s3 =	simm.s32 @!p0 $0x1082;
	s9 =	sld [smem:$0x3FA9]  }
0x2f: {  	lr =	sadd.s32 s0, s3;
	s0 =	sld [smem:$0x3FA0]  }
0x30: {  	s3 =	sld [smem:$0x3FA3]  }
0x31: {  	[smem:$0x3FAC] =	sst s10  }
0x32: {  	s10 =	sld [smem:$0x3FAA];
	_ =	sdelay $0x3  }
0x33: {  	p0 =	seq.s32 s10, $0x1;
	s10 =	sld [smem:$0x3FAC];
	_ =	sdelay $0x3  }
0x34: {  	[smem:$0x3FAC] =	sst s10  }
0x35: {  	s10 =	sld [smem:$0x3FAB];
	_ =	sdelay $0x3  }
0x36: {  	p1 =	seq.s32 s10, $0x1;
	s10 =	sld [smem:$0x3FAC];
	_ =	sdelay $0x3  }
0x37: {  	[smem:$0x3FAC] =	sst s10  }
0x38: {  	s10 =	sld [smem:$0x3FAD]  }
0x39: {  	_ = 	snop;
	(pc) =	sbr.ind lr, $3  }
0x3a: {  	_ = 	snop  }
0x3b: {  	_ = 	snop  }
0x3c: {  	p2 =	seq.s32 s10, $0x1;
	s10 =	sld [smem:$0x3FAC]  }
0x3d: {  	_ =	shalt  }
0x3e: {  	_ =	shalt  }
0x3f: {  	_ =	shalt  }
0x40: {  	_ =	shalt  }
0x41: {  	_ =	shalt  }
0x42: {  	_ =	shalt  }
0x43: {  	_ =	shalt  }
0x44: {  	_ =	shalt  }
0x45: {  	_ =	shalt  }
0x46: {  	_ =	shalt  }
0x47: {  	_ =	shalt  }
0x48: {  	_ =	shalt  }
0x49: {  	_ =	shalt  }
0x4a: {  	_ =	shalt  }
0x4b: {  	_ =	shalt  }
0x4c: {  	_ =	shalt  }
0x4d: {  	_ =	shalt  }
0x4e: {  	_ =	shalt  }
0x4f: {  	_ =	shalt  }
0x50: {  	_ =	shalt  }
0x51: {  	_ =	shalt  }
0x52: {  	_ =	shalt  }
0x53: {  	_ =	shalt  }
0x54: {  	_ =	shalt  }
0x55: {  	_ =	shalt  }
0x56: {  	_ =	shalt  }
0x57: {  	_ =	shalt  }
0x58: {  	_ =	shalt  }
0x59: {  	_ =	shalt  }
0x5a: {  	_ =	shalt  }
0x5b: {  	_ =	shalt  }
0x5c: {  	_ =	shalt  }
0x5d: {  	_ =	shalt  }
0x5e: {  	_ =	shalt  }
0x5f: {  	_ =	shalt  }
0x60: {  	_ =	shalt  }
0x61: {  	_ =	shalt  }
0x62: {  	_ =	shalt  }
0x63: {  	_ =	shalt  }
0x64: {  	_ =	shalt  }
0x65: {  	_ =	shalt  }
0x66: {  	_ =	shalt  }
0x67: {  	_ =	shalt  }
0x68: {  	_ =	shalt  }
0x69: {  	_ =	shalt  }
0x6a: {  	_ =	shalt  }
0x6b: {  	_ =	shalt  }
0x6c: {  	_ =	shalt  }
0x6d: {  	_ =	shalt  }
0x6e: {  	_ =	shalt  }
0x6f: {  	_ =	shalt  }
0x70: {  	_ =	shalt  }
0x71: {  	_ =	shalt  }
0x72: {  	_ =	shalt  }
0x73: {  	_ =	shalt  }
0x74: {  	_ =	shalt  }
0x75: {  	_ =	shalt  }
0x76: {  	_ =	shalt  }
0x77: {  	_ =	shalt  }
0x78: {  	_ =	shalt  }
0x79: {  	_ =	shalt  }
0x7a: {  	_ =	shalt  }
0x7b: {  	_ =	shalt  }
0x7c: {  	_ =	shalt  }
0x7d: {  	_ =	shalt  }
0x7e: {  	_ =	shalt  }
0x7f: {  	_ =	shalt  }
0x80: {  	_ =	shalt  }
0x81: {  	_ =	shalt  }
0x82: {  	_ =	shalt  }
0x83: {  	_ =	shalt  }
0x84: {  	_ =	shalt  }
0x85: {  	_ =	shalt  }
0x86: {  	_ =	shalt  }
0x87: {  	_ =	shalt  }
.Lfunc_end0:
.L_simem_size_0:
called_computation.1_lowered:
.L_overlay_start_0:
0x88: {  	s2 =	sld [smem:$0x3FD9]  }
0x89: {  	s3 =	sld [smem:$0x3FFE];
	_ =	sdelay $0x1  }
0x8a: {  	s1 =	srdreg.scid  }
0x8b: {  	s0 =	sand.u32 $0x1, s1  }
0x8c: {  	s17 =	sshll.u32 s0, $0xA;
	s2 =	sadd.s32 s3, s2  }
0x8d: {  	s2 =	sadd.s32 s2, s17  }
0x8e: {  	[smem:$0x3FB8] =	sst s2  }
0x8f: {  	_ = 	snop  }
0x90: {  	(tm) =	ssettm $0x1  }
0x91: {  	s18 =	sld [smem:$0x3FFB];
	_ =	sdelay $0x3  }
0x92: {  	_ =	strace s18  }
0x93: {  	s2 =	sld [smem:$0x3FFC];
	_ =	sdelay $0x3  }
0x94: {  	_ =	strace s2  }
0x95: {  	s2 =	sld [smem:$0x3FFD];
	_ =	sdelay $0x3  }
0x96: {  	_ =	strace s2  }
0x97: {  	_ =	strace $0x8FFFFFFF  }
0x98: {  	s19 =	sld [smem:$0x3FDB];
	_ =	sdelay $0x1  }
0x99: {  	s20 =	simm.s32 $_scs_section_size  }
0x9a: {  	s4 =	simm.s32 $_size__tile_overlayer_lowered;
	s5 =	simm.s32 $_tile_overlayer_lowered  }
0x9b: {  	s6 =	simm.s32 $0x1BFF;
	s21 =	sshll.u32 s5, $0x1;
	s3 =	sadd.s32 s20, s19  }
0x9c: {  	s22 =	simm.s32 $0x0;
	s4 =	sshll.u32 s4, $0x1;
	s5 =	sadd.s32 s21, s3  }
0x9d: {  	[timem:s22], [sflag:s6] =	dma.local [hbm:s5], s4  }
0x9e: {  	_ =	swait.ge [sflag:s6], s4  }
0x9f: {  	s4 =	ssub.s32 $0x0, s4;
	[sflag:s6] =	ssyncset.done $0x0  }
0xa0: {  	[sflag:s6] =	ssyncadd.s32 s4;
	_ =	sdelay $0x1  }
0xa1: {  	s23 =	simm.s32 $0x1B8B  }
0xa2: {  	_ =	swait.ge [sflag:s23], $0x1  }
0xa3: {  	[sflag:s23] =	ssyncset.done $0x0  }
0xa4: {  	[sflag:s23] =	ssyncadd.s32 $0xFFFFFFFF  }
0xa5: {  	s4 =	sld [smem:$0x0]  }
0xa6: {  	s5 =	sand.u32 $0xFFFFFFFE, s1  }
0xa7: {  	p0 =	sne.s32 s1, s5  }
0xa8: {  	s5 =	sshll.u32 @p0 s5, $0xE  }
0xa9: {  	s5 =	sadd.s32 @p0 $0x11B8D, s5;
	s6 =	sshll.u32 @p0 s4, $0x11  }
0xaa: {  	s5 =	sor.u32 @p0 s6, s5  }
0xab: {  	[sflag:s5] =	ssyncadd.remote.s32 @p0 $0x1;
	_ =	sdelay $0x1  }
0xac: {  	s5 =	simm.s32 @p0 $0x1B8D  }
0xad: {  	_ =	swait.eq @p0 [sflag:s5], $0x1  }
0xae: {  	[sflag:s5] =	ssyncadd.s32 @p0 $0xFFFFFFFF  }
0xaf: {  	s6 =	sshll.u32 @!p0 s1, $0xE  }
0xb0: {  	s6 =	sor.u32 @!p0 $0x4000, s6;
	s5 =	simm.s32 @!p0 $0x1B8D  }
0xb1: {  	s4 =	sshll.u32 @!p0 s4, $0x11;
	s6 =	sadd.s32 @!p0 $0x11B8D, s6;
	_ =	swait.eq @!p0 [sflag:s5], $0x1  }
0xb2: {  	s4 =	sor.u32 @!p0 s4, s6;
	[sflag:s5] =	ssyncadd.s32 @!p0 $0xFFFFFFFF  }
0xb3: {  	s25 =	simm.s32 $0x1B8E;
	s24 =	sld [smem:$0x3FFE];
	[sflag:s4] =	ssyncadd.remote.s32 @!p0 $0x1  }
0xb4: {  	s26 =	simm.s32 $execute0_lowered;
	[smem:$0x3FD2] =	sst s25  }
0xb5: {  	s5 =	sshll.u32 s26, $0x1;
	_ =	strace $0x8000004C;
	[dreg:$0x1] =	wrdreg $0xFFFFFFFF  }
0xb6: {  	s28 =	simm.s32 $_size_execute0_lowered;
	s3 =	sadd.s32 s3, s5;
	[dreg:$0x0] =	wrdreg $0x0  }
0xb7: {  	s5 =	sshll.u32 s28, $0x1;
	[dreg:$0x2] =	wrdreg s3  }
0xb8: {  	[dreg:$0x3] =	wrdreg s5  }
0xb9: {  	[dreg:$0x4] =	wrdreg $0xC0  }
0xba: {  	_ =	task [dreg:s22], $0x5FFFF  }
0xbb: {  	[dreg:$0x1] =	wrdreg $0xFFFFFFFF  }
0xbc: {  	[dreg:$0x0] =	wrdreg $0x60  }
0xbd: {  	[dreg:$0x2] =	wrdreg s24  }
0xbe: {  	[dreg:$0x3] =	wrdreg $0x0  }
0xbf: {  	[dreg:$0x4] =	wrdreg $0x9  }
0xc0: {  	_ =	task.clear_ibuf [dreg:s22], $0x5FFFF;
	_ =	strace $0x9000004C  }
0xc1: {  	s29 =	simm.s32 $0x9;
	_ =	strace $0x8000004E  }
0xc2: {  	_ =	swait.ge [sflag:s29], $0x1  }
0xc3: {  	[sflag:s29] =	ssyncadd.s32 $0xFFFFFFFF  }
0xc4: {  	_ =	strace $0x9000004E  }
0xc5: {  	_ =	sfence  }
0xc6: {  	s30 =	sld [smem:$0x0];
	_ =	sdelay $0x2  }
0xc7: {  	s31 =	sshll.u32 s1, $0xD;
	s1 =	sshrl.u32 s1, $0x2  }
0xc8: {  	s4 =	sand.u32 $0x4000, s31;
	s1 =	sadd.s32 s1, s30  }
0xc9: {  	s0 =	sor.u32 s4, s0;
	s1 =	sshll.u32 s1, $0x11  }
0xca: {  	s0 =	sor.u32 s1, s0  }
0xcb: {  	s0 =	sadd.s32 $0x8F2B, s0  }
0xcc: {  	[sflag:s0] =	ssyncadd.remote.s32 $0x1  }
0xcd: {  	_ =	sfence.sel $0xFFFF  }
0xce: {  	[dreg:$0x0] =	wrdreg $0xFFFFFFFF;
	(pc) =	sbr.abs _section_cstart, $3  }
0xcf: {  	[dreg:$0x1] =	wrdreg $0xFFFFFFFF  }
0xd0: {  	_ =	task.clear_ibuf [dreg:s22], $0x2FFFF;
	_ =	strace $0x9FFFFFFF  }
0xd1: {  	(tm) =	ssettm $0x7FFFFFFF  }
tec
execute0_lowered:
.L_overlay_start_1:
0x0: {  	(tag) =	ssettag $0x1  }
0x1: {  	s7 =	rddreg [dreg:$0x0]  }
0x2: {  	s2 =	rddreg [dreg:$0x1]  }
0x3: {  	s0 =	rddreg [dreg:$0x2]  }
0x4: {  	s3 =	simm.s32 $0x0;
	s1 =	stileid.u32;
	s4 =	srdreg.scid  }
0x5: {  	s15 =	simm.s32 $0x15000;
	s16 =	simm.s32 $0x80;
	s17 =	simm.s32 $0x16000  }
0x6: {  	s18 =	simm.s32 $0x1A000;
	s19 =	simm.s32 $0x1;
	s20 =	simm.s32 $0x2  }
0x7: {  	s21 =	simm.s32 $0x14F80;
	s22 =	simm.s32 $0x15F00;
	s23 =	simm.s32 $0x15F80  }
0x8: {  	[smem:$0x7FF] =	sst s3;
	s8 =	smul.u32 $0x14000, s1;
	s9 =	sand.u32 $0x1, s4  }
0x9: {  	s4 =	sadd.s32 $0xBBA00, s7;
	s5 =	sadd.s32 $0x15BA00, s7;
	s6 =	sadd.s32 $0x6200, s7  }
0xa: {  	s13 =	smul.u32 $0x50000, s1;
	s31 =	sshll.u32 s1, $0x6;
	_ =	strace $0x8000004D  }
0xb: {  	s10 =	smul.u32 $0x140000, s9;
	s28 =	ssub.s32 $0x2, s9;
	s29 =	sshll.u32 s9, $0x4  }
0xc: {  	s11 =	sshrl.u32 s8, $0x3;
	s12 =	sshrl.u32 s28, $0x1;
	s9 =	sor.u32 s1, s29  }
0xd: {  	s30 =	sshrl.u32 s13, $0x2;
	s11 =	sadd.s32 s11, s7;
	s8 =	sadd.s32 s8, s10  }
0xe: {  	s12 =	ssub.s32 s28, s12;
	s13 =	sadd.s32 s30, s2;
	s8 =	sshrl.u32 s8, $0x3  }
0xf: {  	s9 =	smul.u32 $0xA000, s9;
	s14 =	sadd.s32 s8, s7;
	s7 =	sadd.s32 $0x183A00, s11  }
0x10: {  	s8 =	sor.u32 $0x1C03, s31;
	s11 =	smax.u32 s12, $0x1;
	s12 =	sshrl.u32 s13, $0x3  }
0x11: {  	s13 =	simm.s32 $0x3;
	s10 =	sadd.s32 $0x1ABA00, s14;
	s14 =	simm.s32 $0x14000  }
.LBB2_1:
0x12: {  	[spmem:s12], [sflag:s8] =	dma.local [hbm:s7], $0x2800  }
0x13: {  	_ =	swait.ge [sflag:s13], $0x2800  }
0x14: {  	[sflag:s13] =	ssyncset.done $0x0  }
0x15: {  	[sflag:s13] =	ssyncadd.s32 $0xFFFFD800  }
0x16: {  	s24 =	simm.s32 $0x0;
	[bflag:$0x0] =	sbarrier.arrive $0xFFFF  }
.LBB2_2:
0x17: {  	s25 =	sshll.u32 s24, $0xC  }
0x18: {  	s25 =	sadd.s32 s9, s25  }
0x19: {  	s25 =	sshrl.u32 s25, $0x3  }
0x1a: {  	s28 =	simm.s32 $0x0;
	s26 =	sadd.s32 s5, s25  }
0x1b: {  	[tilespmem:s14], [sflag:$0x3] =	stream.linear.gather [hbm4b:s26+s28], $0x1000, $0x38;
	[tilespmem:$0x1E000] =	vst v63  }
0x1c: {  	_ =	swait.ge [sflag:s13], $0x1000  }
0x1d: {  	[sflag:s13] =	ssyncset.done $0x0  }
0x1e: {  	s25 =	sadd.s32 s6, s25;
	[sflag:s13] =	ssyncadd.s32 $0xFFFFF000  }
0x1f: {  	[tilespmem:s15], [sflag:$0x3] =	stream.linear.gather [hbm4b:s25+s28], $0x1000, $0x38;
	[tilespmem:$0x1E000] =	vst v63  }
0x20: {  	_ =	swait.ge [sflag:s13], $0x1000  }
0x21: {  	[sflag:s13] =	ssyncset.done $0x0  }
0x22: {  	[sflag:s13] =	ssyncadd.s32 $0xFFFFF000  }
0x23: {  	[tilespmem:s17], [sflag:$0x1] =	stream.indirect.gather [hbm4b:s4+s16], $0x80, s14, s16, $0xb8;
	[tilespmem:$0x1E000] =	vst v63  }
0x24: {  	s28 =	simm.s32 $0x14080  }
0x25: {  	[tilespmem:s18], [sflag:$0x2] =	stream.indirect.gather [hbm4b:s4+s16], $0x80, s28, s16, $0xb8;
	[tilespmem:$0x1E000] =	vst v63  }
0x26: {  	_ =	swait.ge [sflag:s19], $0x4000  }
0x27: {  	[sflag:s19] =	ssyncset.done $0x0  }
0x28: {  	s29 =	simm.s32 $0x15000;
	[sflag:s19] =	ssyncadd.s32 $0xFFFFC000  }
0x29: {  	[spmem:s2] =	stream.indirect.scatter.add.f32 [tilespmem:s17], [sflag:$0x3], $0x80, s29, s16, $0xb8;
	[tilespmem:$0x1E000] =	vst v63  }
0x2a: {  	_ =	swait.ge [sflag:s13], $0x4000  }
0x2b: {  	[sflag:s13] =	ssyncset.done $0x0  }
0x2c: {  	s30 =	simm.s32 $0x14100;
	[sflag:s13] =	ssyncadd.s32 $0xFFFFC000  }
0x2d: {  	[tilespmem:s17], [sflag:$0x1] =	stream.indirect.gather [hbm4b:s4+s16], $0x80, s30, s16, $0xb8;
	[tilespmem:$0x1E000] =	vst v63  }
0x2e: {  	_ =	swait.ge [sflag:s20], $0x4000  }
0x2f: {  	[sflag:s20] =	ssyncset.done $0x0  }
0x30: {  	s31 =	simm.s32 $0x15080;
	[sflag:s20] =	ssyncadd.s32 $0xFFFFC000  }
0x31: {  	[spmem:s2] =	stream.indirect.scatter.add.f32 [tilespmem:s18], [sflag:$0x3], $0x80, s31, s16, $0xb8;
	[tilespmem:$0x1E000] =	vst v63  }
0x32: {  	_ =	swait.ge [sflag:s13], $0x4000  }
0x33: {  	s26 =	simm.s32 $0x800;
	s25 =	simm.s32 $0x100;
	[sflag:s13] =	ssyncset.done $0x0  }
.LBB2_3:
0x34: {  	s28 =	sadd.s32 $0x14080, s25  }
0x35: {  	[sflag:s13] =	ssyncadd.s32 $0xFFFFC000;
	s29 =	smov.u32 s26;
	s30 =	sadd.s32 $0x400, s26  }
0x36: {  	[tilespmem:s18], [sflag:$0x2] =	stream.indirect.gather [hbm4b:s4+s16], $0x80, s28, s16, $0xb8;
	[tilespmem:$0x1E000] =	vst v63  }
0x37: {  	p0 =	sne.s32 s26, $0x3800;
	_ =	swait.ge [sflag:s19], $0x4000  }
0x38: {  	[sflag:s19] =	ssyncset.done $0x0  }
0x39: {  	s26 =	sadd.s32 $0x15000, s25;
	[sflag:s19] =	ssyncadd.s32 $0xFFFFC000  }
0x3a: {  	[spmem:s2] =	stream.indirect.scatter.add.f32 [tilespmem:s17], [sflag:$0x3], $0x80, s26, s16, $0xb8;
	[tilespmem:$0x1E000] =	vst v63  }
0x3b: {  	_ =	swait.ge [sflag:s13], $0x4000  }
0x3c: {  	[sflag:s13] =	ssyncset.done $0x0  }
0x3d: {  	s26 =	sadd.s32 $0x14100, s25;
	[sflag:s13] =	ssyncadd.s32 $0xFFFFC000  }
0x3e: {  	[tilespmem:s17], [sflag:$0x1] =	stream.indirect.gather [hbm4b:s4+s16], $0x80, s26, s16, $0xb8;
	[tilespmem:$0x1E000] =	vst v63  }
0x3f: {  	_ =	swait.ge [sflag:s20], $0x4000  }
.Ltmp0:
0x40: {  	[sflag:s20] =	ssyncset.done $0x0;
	(pc) =	sbr.rel @p0 .LBB2_3-.Ltmp0, $4  }
0x41: {  	s25 =	sadd.s32 $0x15080, s25;
	[sflag:s20] =	ssyncadd.s32 $0xFFFFC000  }
0x42: {  	[spmem:s2] =	stream.indirect.scatter.add.f32 [tilespmem:s18], [sflag:$0x3], $0x80, s25, s16, $0xb8;
	[tilespmem:$0x1E000] =	vst v63  }
0x43: {  	_ =	swait.ge [sflag:s13], $0x4000  }
0x44: {  	s26 =	smov.u32 s30;
	s25 =	sshra.s32 s29, $0x2;
	[sflag:s13] =	ssyncset.done $0x0  }
0x45: {  	s26 =	sadd.s32 $0x14080, s25;
	[sflag:s13] =	ssyncadd.s32 $0xFFFFC000  }
0x46: {  	[tilespmem:s18], [sflag:$0x2] =	stream.indirect.gather [hbm4b:s4+s16], $0x80, s26, s16, $0xb8;
	[tilespmem:$0x1E000] =	vst v63  }
0x47: {  	_ =	swait.ge [sflag:s19], $0x4000  }
0x48: {  	[sflag:s19] =	ssyncset.done $0x0  }
0x49: {  	s29 =	sadd.s32 $0x15000, s25;
	[sflag:s19] =	ssyncadd.s32 $0xFFFFC000  }
0x4a: {  	[spmem:s2] =	stream.indirect.scatter.add.f32 [tilespmem:s17], [sflag:$0x3], $0x80, s29, s16, $0xb8;
	[tilespmem:$0x1E000] =	vst v63  }
0x4b: {  	_ =	swait.ge [sflag:s13], $0x4000  }
0x4c: {  	[sflag:s13] =	ssyncset.done $0x0  }
0x4d: {  	s30 =	sadd.s32 $0x14100, s25;
	[sflag:s13] =	ssyncadd.s32 $0xFFFFC000  }
0x4e: {  	[tilespmem:s17], [sflag:$0x1] =	stream.indirect.gather [hbm4b:s4+s16], $0x80, s30, s16, $0xb8;
	[tilespmem:$0x1E000] =	vst v63  }
0x4f: {  	_ =	swait.ge [sflag:s20], $0x4000  }
0x50: {  	[sflag:s20] =	ssyncset.done $0x0  }
0x51: {  	s31 =	sadd.s32 $0x15080, s25;
	[sflag:s20] =	ssyncadd.s32 $0xFFFFC000  }
0x52: {  	[spmem:s2] =	stream.indirect.scatter.add.f32 [tilespmem:s18], [sflag:$0x3], $0x80, s31, s16, $0xb8;
	[tilespmem:$0x1E000] =	vst v63  }
0x53: {  	_ =	swait.ge [sflag:s13], $0x4000  }
0x54: {  	[sflag:s13] =	ssyncset.done $0x0  }
0x55: {  	[sflag:s13] =	ssyncadd.s32 $0xFFFFC000  }
0x56: {  	[tilespmem:s18], [sflag:$0x2] =	stream.indirect.gather [hbm4b:s4+s16], $0x80, s21, s16, $0xb8;
	[tilespmem:$0x1E000] =	vst v63  }
0x57: {  	_ =	swait.ge [sflag:s19], $0x4000  }
0x58: {  	[sflag:s19] =	ssyncset.done $0x0  }
0x59: {  	[sflag:s19] =	ssyncadd.s32 $0xFFFFC000  }
0x5a: {  	[spmem:s2] =	stream.indirect.scatter.add.f32 [tilespmem:s17], [sflag:$0x3], $0x80, s22, s16, $0xb8;
	[tilespmem:$0x1E000] =	vst v63  }
0x5b: {  	_ =	swait.ge [sflag:s13], $0x4000  }
0x5c: {  	[sflag:s13] =	ssyncset.done $0x0  }
0x5d: {  	[sflag:s13] =	ssyncadd.s32 $0xFFFFC000  }
0x5e: {  	s24 =	sadd.s32 $0x1, s24;
	_ =	swait.ge [sflag:s20], $0x4000  }
0x5f: {  	p0 =	sne.s32 s24, $0xA;
	[sflag:s20] =	ssyncset.done $0x0  }
.Ltmp1:
0x60: {  	[sflag:s20] =	ssyncadd.s32 $0xFFFFC000;
	(pc) =	sbr.rel @p0 .LBB2_2-.Ltmp1, $4  }
0x61: {  	[spmem:s2] =	stream.indirect.scatter.add.f32 [tilespmem:s18], [sflag:$0x3], $0x80, s23, s16, $0xb8;
	[tilespmem:$0x1E000] =	vst v63  }
0x62: {  	_ =	swait.ge [sflag:s13], $0x4000  }
0x63: {  	[sflag:s13] =	ssyncset.done $0x0  }
0x64: {  	[sflag:s13] =	ssyncadd.s32 $0xFFFFC000  }
0x65: {  	s3 =	sadd.s32 $0x1, s3  }
0x66: {  	p0 =	sne.s32 s3, s11  }
.Ltmp2:
0x67: {  	[bflag:$0x0] =	sbarrier.arrive $0xFFFF;
	(pc) =	sbr.rel @p0 .LBB2_1-.Ltmp2, $4  }
0x68: {  	[hbm:s10], [sflag:s8] =	dma.local [spmem:s12], $0x2800  }
0x69: {  	_ =	swait.ge [sflag:s13], $0x2800  }
0x6a: {  	[sflag:s13] =	ssyncset.done $0x0  }
0x6b: {  	[sflag:s13] =	ssyncadd.s32 $0xFFFFD800  }
0x6c: {  	_ =	sfence.sel $0x180000  }
0x6d: {  	[bflag:$0x0] =	sbarrier.arrive $0xFFFF  }
0x6e: {  	p0 =	sne.s32 s1, $0x0;
	_ =	strace $0x9000004D  }
0x6f: {  	s0 =	sadd.s32 @!p0 $0x100000, s0;
	[bflag:$0x2] =	sbarrier.arrive $0xFFFF  }
0x70: {  	[sflag:s0] =	ssyncadd.tile.s32 @!p0 $0x1;
	_ =	shalt  }
.Lfunc_end2:
_tile_overlayer_lowered:
.L_overlay_start_2:
0x71: {  	(tag) =	ssettag $0x2  }
0x72: {  	s0 =	rddreg [dreg:$0x0];
	s2 =	stileid.u32  }
0x73: {  	s1 =	rddreg [dreg:$0x1];
	p0 =	sne.s32 s2, $0x0  }
0x74: {  	s3 =	rddreg [dreg:$0x2];
	[bflag:$0x3] =	sbarrier.arrive $0xFFFF;
	s2 =	simm.s32 @!p0 $0x1C03  }
0x75: {  	[timem:s3], [sflag:s2] =	dma.local @!p0 [hbm:s0], s1  }
0x76: {  	s0 =	simm.s32 @!p0 $0x3  }
0x77: {  	_ =	swait.ge @!p0 [sflag:s0], s1  }
0x78: {  	s1 =	ssub.s32 @!p0 $0x0, s1;
	[sflag:s0] =	ssyncset.done @!p0 $0x0  }
0x79: {  	[sflag:s0] =	ssyncadd.s32 @!p0 s1  }
0x7a: {  	[bflag:$0x3] =	sbarrier.arrive $0xFFFF  }
0x7b: {  	_ =	shalt  }

// kernel: kernel.15.cloned.1.call-start
scs
__scs_entry_jumppad:
0x0: {  	(pc) =	sbr.rel $0x88, $3  }
0x1: {  	(tag) =	ssettag $0x0;
	lr =	simm.s32 $0x1  }
0x2: {  	[smem:$0x3F91] =	sst lr;
	_ =	strace $0xD0000000  }
0x3: {  	_ = 	snop  }
0x4: {  	_ = 	snop  }
0x5: {  	_ = 	snop  }
0x6: {  	_ = 	snop  }
0x7: {  	_ = 	snop  }
__scs_overlays_trampoline_lowered:
0x8: {  	[smem:$0x3FA0] =	sst s0  }
0x9: {  	[smem:$0x3FA1] =	sst s1  }
0xa: {  	[smem:$0x3FA2] =	sst s2  }
0xb: {  	[smem:$0x3FA3] =	sst s3  }
0xc: {  	[smem:$0x3FA4] =	sst s4  }
0xd: {  	[smem:$0x3FA5] =	sst s5  }
0xe: {  	[smem:$0x3FA6] =	sst s6  }
0xf: {  	[smem:$0x3FA7] =	sst s7  }
0x10: {  	[smem:$0x3FA8] =	sst s8  }
0x11: {  	[smem:$0x3FA9] =	sst s9;
	s0 =	simm.s32 @!p0 $0x0  }
0x12: {  	s1 =	sld [smem:$0x3F8F];
	s0 =	simm.s32 @p0 $0x1  }
0x13: {  	[smem:$0x3FAA] =	sst s0;
	s0 =	simm.s32 @!p1 $0x0  }
0x14: {  	s2 =	sld [smem:$0x3F8E];
	s0 =	simm.s32 @p1 $0x1  }
0x15: {  	[smem:$0x3FAB] =	sst s0;
	s0 =	simm.s32 @!p2 $0x0  }
0x16: {  	s3 =	sld [smem:$0x3FDB];
	s0 =	simm.s32 @p2 $0x1  }
0x17: {  	s4 =	simm.s32 $0x1BF5;
	[smem:$0x3FAD] =	sst s0  }
0x18: {  	s0 =	sld [smem:$0x3F90];
	_ =	swait.ge [sflag:s4], $0x0  }
0x19: {  	s7 =	sld [smem:$0x3F91]  }
0x1a: {  	s8 =	sadd.s32 $0xFFFFE003, lr  }
0x1b: {  	s9 =	sadd.s32 $0xFFFFFEF7, lr;
	s5 =	simm.s32 $0xFFFFFFFF;
	p2 =	slt.u32 s8, $0xFFFFF086  }
0x1c: {  	p1 =	slt.u32 s9, $0xF7A;
	s5 =	simm.s32 @!p2 $0x0  }
0x1d: {  	s5 =	simm.s32 @p1 $0x1;
	p0 =	seq.s32 s7, s2  }
0x1e: {  	s7 =	smul.u32 @!p0 $0xF7A, s2;
	p2 =	seq.s32 @!p0 s5, $0x0  }
0x1f: {  	s9 =	smul.u32 $0xF7A, s1;
	s8 =	simm.s32 @!p0 $0x1BF5;
	p2 =	por !p2, p0  }
0x20: {  	[sflag:s8] =	ssyncset.s32 @!p0 $0xFFFFF086;
	s6 =	sadd.s32 @!p0 s3, s7;
	s7 =	simm.s32 @!p0 $0x108  }
0x21: {  	s3 =	sadd.s32 s3, s9;
	s6 =	sadd.s32 @!p0 $0x88, s6;
	s7 =	simm.s32 @p2 $0x1082  }
0x22: {  	[simem:s7], [sflag:s8] =	dma.local @!p0 [hbm:s6], $0xF7A  }
0x23: {  	s9 =	sor.u32 $0xD0000000, s2;
	s6 =	simm.s32 $0x108;
	_ =	swait.ge @!p0 [sflag:s8], $0x0  }
0x24: {  	s3 =	sadd.s32 $0x88, s3;
	s6 =	simm.s32 @!p1 $0x1082;
	[sflag:s4] =	ssyncset.s32 $0xFFFFF086  }
0x25: {  	[simem:s6], [sflag:s4] =	dma.local [hbm:s3], $0xF7A  }
0x26: {  	[smem:$0x3F91] =	sst s1;
	(tag) =	ssettag s2;
	_ =	strace s9  }
0x27: {  	s1 =	sld [smem:$0x3FA1]  }
0x28: {  	s2 =	sld [smem:$0x3FA2]  }
0x29: {  	s4 =	sld [smem:$0x3FA4]  }
0x2a: {  	p0 =	seq.s32 s5, $0x0;
	s5 =	sld [smem:$0x3FA5]  }
0x2b: {  	s6 =	sld [smem:$0x3FA6]  }
0x2c: {  	s7 =	sld [smem:$0x3FA7]  }
0x2d: {  	s3 =	simm.s32 $0x108;
	s8 =	sld [smem:$0x3FA8]  }
0x2e: {  	s3 =	simm.s32 @!p0 $0x1082;
	s9 =	sld [smem:$0x3FA9]  }
0x2f: {  	lr =	sadd.s32 s0, s3;
	s0 =	sld [smem:$0x3FA0]  }
0x30: {  	s3 =	sld [smem:$0x3FA3]  }
0x31: {  	[smem:$0x3FAC] =	sst s10  }
0x32: {  	s10 =	sld [smem:$0x3FAA];
	_ =	sdelay $0x3  }
0x33: {  	p0 =	seq.s32 s10, $0x1;
	s10 =	sld [smem:$0x3FAC];
	_ =	sdelay $0x3  }
0x34: {  	[smem:$0x3FAC] =	sst s10  }
0x35: {  	s10 =	sld [smem:$0x3FAB];
	_ =	sdelay $0x3  }
0x36: {  	p1 =	seq.s32 s10, $0x1;
	s10 =	sld [smem:$0x3FAC];
	_ =	sdelay $0x3  }
0x37: {  	[smem:$0x3FAC] =	sst s10  }
0x38: {  	s10 =	sld [smem:$0x3FAD]  }
0x39: {  	_ = 	snop;
	(pc) =	sbr.ind lr, $3  }
0x3a: {  	_ = 	snop  }
0x3b: {  	_ = 	snop  }
0x3c: {  	p2 =	seq.s32 s10, $0x1;
	s10 =	sld [smem:$0x3FAC]  }
0x3d: {  	_ =	shalt  }
0x3e: {  	_ =	shalt  }
0x3f: {  	_ =	shalt  }
0x40: {  	_ =	shalt  }
0x41: {  	_ =	shalt  }
0x42: {  	_ =	shalt  }
0x43: {  	_ =	shalt  }
0x44: {  	_ =	shalt  }
0x45: {  	_ =	shalt  }
0x46: {  	_ =	shalt  }
0x47: {  	_ =	shalt  }
0x48: {  	_ =	shalt  }
0x49: {  	_ =	shalt  }
0x4a: {  	_ =	shalt  }
0x4b: {  	_ =	shalt  }
0x4c: {  	_ =	shalt  }
0x4d: {  	_ =	shalt  }
0x4e: {  	_ =	shalt  }
0x4f: {  	_ =	shalt  }
0x50: {  	_ =	shalt  }
0x51: {  	_ =	shalt  }
0x52: {  	_ =	shalt  }
0x53: {  	_ =	shalt  }
0x54: {  	_ =	shalt  }
0x55: {  	_ =	shalt  }
0x56: {  	_ =	shalt  }
0x57: {  	_ =	shalt  }
0x58: {  	_ =	shalt  }
0x59: {  	_ =	shalt  }
0x5a: {  	_ =	shalt  }
0x5b: {  	_ =	shalt  }
0x5c: {  	_ =	shalt  }
0x5d: {  	_ =	shalt  }
0x5e: {  	_ =	shalt  }
0x5f: {  	_ =	shalt  }
0x60: {  	_ =	shalt  }
0x61: {  	_ =	shalt  }
0x62: {  	_ =	shalt  }
0x63: {  	_ =	shalt  }
0x64: {  	_ =	shalt  }
0x65: {  	_ =	shalt  }
0x66: {  	_ =	shalt  }
0x67: {  	_ =	shalt  }
0x68: {  	_ =	shalt  }
0x69: {  	_ =	shalt  }
0x6a: {  	_ =	shalt  }
0x6b: {  	_ =	shalt  }
0x6c: {  	_ =	shalt  }
0x6d: {  	_ =	shalt  }
0x6e: {  	_ =	shalt  }
0x6f: {  	_ =	shalt  }
0x70: {  	_ =	shalt  }
0x71: {  	_ =	shalt  }
0x72: {  	_ =	shalt  }
0x73: {  	_ =	shalt  }
0x74: {  	_ =	shalt  }
0x75: {  	_ =	shalt  }
0x76: {  	_ =	shalt  }
0x77: {  	_ =	shalt  }
0x78: {  	_ =	shalt  }
0x79: {  	_ =	shalt  }
0x7a: {  	_ =	shalt  }
0x7b: {  	_ =	shalt  }
0x7c: {  	_ =	shalt  }
0x7d: {  	_ =	shalt  }
0x7e: {  	_ =	shalt  }
0x7f: {  	_ =	shalt  }
0x80: {  	_ =	shalt  }
0x81: {  	_ =	shalt  }
0x82: {  	_ =	shalt  }
0x83: {  	_ =	shalt  }
0x84: {  	_ =	shalt  }
0x85: {  	_ =	shalt  }
0x86: {  	_ =	shalt  }
0x87: {  	_ =	shalt  }
.Lfunc_end0:
.L_simem_size_0:
called_computation.2_lowered:
.L_overlay_start_0:
0x88: {  	s2 =	sld [smem:$0x3FD9]  }
0x89: {  	s3 =	sld [smem:$0x3FFE];
	_ =	sdelay $0x1  }
0x8a: {  	s1 =	srdreg.scid  }
0x8b: {  	s0 =	sand.u32 $0x1, s1  }
0x8c: {  	s16 =	sshll.u32 s0, $0xA;
	s2 =	sadd.s32 s3, s2  }
0x8d: {  	s2 =	sadd.s32 s2, s16  }
0x8e: {  	[smem:$0x3FB8] =	sst s2  }
0x8f: {  	_ = 	snop  }
0x90: {  	(tm) =	ssettm $0x1  }
0x91: {  	s17 =	sld [smem:$0x3FFB];
	_ =	sdelay $0x3  }
0x92: {  	_ =	strace s17  }
0x93: {  	s2 =	sld [smem:$0x3FFC];
	_ =	sdelay $0x3  }
0x94: {  	_ =	strace s2  }
0x95: {  	s2 =	sld [smem:$0x3FFD];
	_ =	sdelay $0x3  }
0x96: {  	_ =	strace s2  }
0x97: {  	_ =	strace $0x8FFFFFFF  }
0x98: {  	s18 =	sld [smem:$0x3FDB];
	_ =	sdelay $0x1  }
0x99: {  	s19 =	simm.s32 $_scs_section_size  }
0x9a: {  	s4 =	simm.s32 $_size__tile_overlayer_lowered;
	s5 =	simm.s32 $_tile_overlayer_lowered  }
0x9b: {  	s22 =	simm.s32 $0x1BFF;
	s21 =	sshll.u32 s5, $0x1;
	s2 =	sadd.s32 s19, s18  }
0x9c: {  	s6 =	simm.s32 $0x0;
	s20 =	sshll.u32 s4, $0x1;
	s4 =	sadd.s32 s21, s2  }
0x9d: {  	[timem:s6], [sflag:s22] =	dma.local [hbm:s4], s20  }
0x9e: {  	_ =	swait.ge [sflag:s22], s20  }
0x9f: {  	s3 =	ssub.s32 $0x0, s20;
	[sflag:s22] =	ssyncset.done $0x0  }
0xa0: {  	[sflag:s22] =	ssyncadd.s32 s3;
	_ =	sdelay $0x1  }
0xa1: {  	s23 =	simm.s32 $0x1B8B  }
0xa2: {  	_ =	swait.ge [sflag:s23], $0x1  }
0xa3: {  	[sflag:s23] =	ssyncset.done $0x0  }
0xa4: {  	s25 =	simm.s32 $0x1B8E;
	s24 =	sld [smem:$0x3FFE];
	[sflag:s23] =	ssyncadd.s32 $0xFFFFFFFF  }
0xa5: {  	s26 =	simm.s32 $execute0_lowered;
	[smem:$0x3FD2] =	sst s25  }
0xa6: {  	s4 =	sshll.u32 s26, $0x1;
	_ =	strace $0x80000049;
	[dreg:$0x1] =	wrdreg $0xFFFFFFFF  }
0xa7: {  	s28 =	simm.s32 $_size_execute0_lowered;
	s2 =	sadd.s32 s2, s4;
	[dreg:$0x0] =	wrdreg $0x0  }
0xa8: {  	s4 =	sshll.u32 s28, $0x1;
	[dreg:$0x2] =	wrdreg s2  }
0xa9: {  	[dreg:$0x3] =	wrdreg s4  }
0xaa: {  	[dreg:$0x4] =	wrdreg $0xC0  }
0xab: {  	_ =	task [dreg:s6], $0x5FFFF  }
0xac: {  	[dreg:$0x1] =	wrdreg $0xFFFFFFFF  }
0xad: {  	[dreg:$0x0] =	wrdreg $0x60  }
0xae: {  	[dreg:$0x2] =	wrdreg s24  }
0xaf: {  	[dreg:$0x3] =	wrdreg $0x0  }
0xb0: {  	[dreg:$0x4] =	wrdreg $0xA  }
0xb1: {  	_ =	task.clear_ibuf [dreg:s6], $0x5FFFF;
	_ =	strace $0x90000049  }
0xb2: {  	s29 =	simm.s32 $0xA;
	_ =	strace $0x8000004B  }
0xb3: {  	_ =	swait.ge [sflag:s29], $0x1  }
0xb4: {  	[sflag:s29] =	ssyncadd.s32 $0xFFFFFFFF  }
0xb5: {  	_ =	strace $0x9000004B  }
0xb6: {  	_ =	sfence  }
0xb7: {  	s30 =	sld [smem:$0x0];
	_ =	sdelay $0x2  }
0xb8: {  	s31 =	sshll.u32 s1, $0xD;
	s1 =	sshrl.u32 s1, $0x2  }
0xb9: {  	s3 =	sand.u32 $0x4000, s31;
	s1 =	sadd.s32 s1, s30  }
0xba: {  	s0 =	sor.u32 s3, s0;
	s1 =	sshll.u32 s1, $0x11  }
0xbb: {  	s0 =	sor.u32 s1, s0  }
0xbc: {  	s0 =	sadd.s32 $0x8F2B, s0  }
0xbd: {  	[sflag:s0] =	ssyncadd.remote.s32 $0x1  }
0xbe: {  	_ =	sfence.sel $0xFFFF  }
0xbf: {  	[dreg:$0x0] =	wrdreg $0xFFFFFFFF;
	(pc) =	sbr.abs _section_cstart, $3  }
0xc0: {  	[dreg:$0x1] =	wrdreg $0xFFFFFFFF  }
0xc1: {  	_ =	task.clear_ibuf [dreg:s6], $0x2FFFF;
	_ =	strace $0x9FFFFFFF  }
0xc2: {  	(tm) =	ssettm $0x7FFFFFFF  }
0xc3: {  	_ =	shalt  }
tec
execute0_lowered:
.L_overlay_start_1:
0x0: {  	(tag) =	ssettag $0x1  }
0x1: {  	s0 =	rddreg [dreg:$0x0]  }
0x2: {  	s1 =	rddreg [dreg:$0x1]  }
0x3: {  	s2 =	simm.s32 $0x0;
	s3 =	srdreg.scid;
	s24 =	stileid.u32  }
0x4: {  	s14 =	simm.s32 $0x3;
	s15 =	simm.s32 $0x16000;
	s16 =	simm.s32 $0x80  }
0x5: {  	s17 =	simm.s32 $0x100;
	s18 =	simm.s32 $0x18800;
	s19 =	simm.s32 $0x14000  }
0x6: {  	s20 =	simm.s32 $0x15000;
	s21 =	simm.s32 $0x1B000;
	s22 =	simm.s32 $0x1B080  }
0x7: {  	s23 =	simm.s32 $0x1B100;
	s28 =	simm.s32 $0x20;
	s29 =	simm.s32 $0x10  }
0x8: {  	s30 =	simm.s32 $0x0;
	[smem:$0x7FF] =	sst s2;
	s4 =	sadd.s32 $0x43A00, s0  }
0x9: {  	s5 =	sadd.s32 $0x6BA00, s0;
	s3 =	sand.u32 $0x1, s3;
	s7 =	smul.u32 $0x28000, s24  }
0xa: {  	s9 =	smul.u32 $0x14000, s24;
	s6 =	sadd.s32 $0x2E200, s0;
	s31 =	sshll.u32 s24, $0x6  }
0xb: {  	_ =	strace $0x8000004A;
	s8 =	sshll.u32 s3, $0x4;
	s10 =	sshll.u32 s3, $0x7  }
0xc: {  	s3 =	ssub.s32 $0x2, s3;
	s11 =	sadd.s32 s8, s0;
	s7 =	sor.u32 s10, s7  }
0xd: {  	s25 =	sshrl.u32 s9, $0x3;
	s26 =	sshrl.u32 s3, $0x1;
	s12 =	sor.u32 s24, s8  }
0xe: {  	s13 =	sadd.s32 s9, s1;
	s8 =	sor.u32 $0x1C03, s31;
	s24 =	simm.s32 $0x1B180  }
0xf: {  	s7 =	sshrl.u32 s7, $0x3;
	s10 =	sadd.s32 s25, s0;
	s3 =	ssub.s32 s3, s26  }
0x10: {  	s9 =	sadd.s32 $0x2E800, s11;
	s13 =	sshrl.u32 s13, $0x3;
	s25 =	simm.s32 $0x1  }
0x11: {  	s26 =	simm.s32 $0x2;
	s0 =	sadd.s32 s7, s0;
	s7 =	sadd.s32 $0x93A00, s10  }
0x12: {  	s10 =	smul.u32 $0xA000, s12;
	s12 =	smax.u32 s3, $0x1;
	s11 =	sadd.s32 $0x10BA00, s0  }
.LBB2_1:
0x13: {  	[spmem:s13], [sflag:s8] =	dma.local [hbm:s7], $0x2800  }
0x14: {  	_ =	swait.ge [sflag:s14], $0x2800  }
0x15: {  	[sflag:s14] =	ssyncset.done $0x0  }
0x16: {  	s0 =	simm.s32 $0x0;
	[sflag:s14] =	ssyncadd.s32 $0xFFFFD800  }
0x17: {  	[tilespmem:s15], [sflag:$0x3] =	stream.linear.gather [hbm4b:s6+s0], $0x2800, $0x38;
	[tilespmem:$0x1B200] =	vst v63  }
0x18: {  	_ =	swait.ge [sflag:s14], $0x2800  }
0x19: {  	[sflag:s14] =	ssyncset.done $0x0  }
0x1a: {  	[sflag:s14] =	ssyncadd.s32 $0xFFFFD800  }
0x1b: {  	[tilespmem:s18], [sflag:$0x3] =	stream.strided.gather [hbm4b:s9+s16], $0x2800, s17, s16, $0x38;
	[tilespmem:$0x1B200] =	vst v63  }
0x1c: {  	_ =	swait.ge [sflag:s14], $0x2800  }
0x1d: {  	[sflag:s14] =	ssyncset.done $0x0  }
0x1e: {  	[sflag:s14] =	ssyncadd.s32 $0xFFFFD800  }
0x1f: {  	s31 =	simm.s32 $0x0;
	[bflag:$0x0] =	sbarrier.arrive $0xFFFF  }
.LBB2_2:
0x20: {  	s0 =	sshll.u32 s31, $0xC  }
0x21: {  	s0 =	sadd.s32 s10, s0  }
0x22: {  	s3 =	sshrl.u32 s0, $0x3  }
0x23: {  	s0 =	simm.s32 $0x0;
	s2 =	sadd.s32 s4, s3  }
0x24: {  	[tilespmem:s19], [sflag:$0x3] =	stream.linear.gather [hbm4b:s2+s0], $0x1000, $0x38;
	[tilespmem:$0x1B200] =	vst v63  }
0x25: {  	_ =	swait.ge [sflag:s14], $0x1000  }
0x26: {  	[sflag:s14] =	ssyncset.done $0x0  }
0x27: {  	s3 =	sadd.s32 s5, s3;
	[sflag:s14] =	ssyncadd.s32 $0xFFFFF000  }
0x28: {  	[tilespmem:s20], [sflag:$0x3] =	stream.linear.gather [hbm4b:s3+s0], $0x1000, $0x38;
	[tilespmem:$0x1B200] =	vst v63  }
0x29: {  	_ =	swait.ge [sflag:s14], $0x1000  }
0x2a: {  	[sflag:s14] =	ssyncset.done $0x0  }
0x2b: {  	[sflag:s14] =	ssyncadd.s32 $0xFFFFF000  }
.LBB2_3:
0x2c: {  	p0 =	seq.s32 s0, $0x0  }
0x2d: {  	s2 =	simm.s32 @!p0 $0x1  }
0x2e: {  	_ =	swait.ge @!p0 [sflag:s2], $0x80  }
0x2f: {  	[sflag:s2] =	ssyncset.done @!p0 $0x0  }
0x30: {  	s3 =	sshra.s32 s0, $0x2;
	[sflag:s2] =	ssyncadd.s32 @!p0 $0xFFFFFF80  }
0x31: {  	v0 =	vld [tilespmem:s3+$0x15000];
	_ =	sdelay $0x6  }
0x32: {  	v1 =	vld [tilespmem:s3+$0x14000]  }
0x33: {  	v2 =	vld.idx.msk [tilespmem:v0+s15+$0x0], $0xffff  }
0x34: {  	v0 =	vld.idx.msk [tilespmem:v0+s18+$0x0], $0xffff;
	_ =	sdelay $0x3  }
0x35: {  	v1 =	vshll.u32 v1, $0x7  }
0x36: {  	v1 =	vadd.s32 v1, v2;
	[tilespmem:$0x1B080] =	vst v0  }
0x37: {  	[tilespmem:$0x1B000] =	vst v1  }
0x38: {  	v0 =	vld [tilespmem:s3+$0x15010];
	_ =	sdelay $0x6  }
0x39: {  	v1 =	vld [tilespmem:s3+$0x14010]  }
0x3a: {  	v47 =	vld.idx.msk [tilespmem:v0+s15+$0x0], $0xffff  }
0x3b: {  	v0 =	vld.idx.msk [tilespmem:v0+s18+$0x0], $0xffff;
	_ =	sdelay $0x3  }
0x3c: {  	v1 =	vshll.u32 v1, $0x7  }
0x3d: {  	v1 =	vadd.s32 v1, v47;
	[tilespmem:$0x1B090] =	vst v0  }
0x3e: {  	[tilespmem:$0x1B010] =	vst v1  }
0x3f: {  	v0 =	vld [tilespmem:s3+$0x15020];
	_ =	sdelay $0x6  }
0x40: {  	v1 =	vld [tilespmem:s3+$0x14020]  }
0x41: {  	v48 =	vld.idx.msk [tilespmem:v0+s15+$0x0], $0xffff  }
0x42: {  	v0 =	vld.idx.msk [tilespmem:v0+s18+$0x0], $0xffff;
	_ =	sdelay $0x3  }
0x43: {  	v1 =	vshll.u32 v1, $0x7  }
0x44: {  	v1 =	vadd.s32 v1, v48;
	[tilespmem:$0x1B0A0] =	vst v0  }
0x45: {  	[tilespmem:$0x1B020] =	vst v1  }
0x46: {  	v0 =	vld [tilespmem:s3+$0x15030];
	_ =	sdelay $0x6  }
0x47: {  	v1 =	vld [tilespmem:s3+$0x14030]  }
0x48: {  	v49 =	vld.idx.msk [tilespmem:v0+s15+$0x0], $0xffff  }
0x49: {  	v0 =	vld.idx.msk [tilespmem:v0+s18+$0x0], $0xffff;
	_ =	sdelay $0x3  }
0x4a: {  	v1 =	vshll.u32 v1, $0x7  }
0x4b: {  	v1 =	vadd.s32 v1, v49;
	[tilespmem:$0x1B0B0] =	vst v0  }
0x4c: {  	[tilespmem:$0x1B030] =	vst v1  }
0x4d: {  	v0 =	vld [tilespmem:s3+$0x15040];
	_ =	sdelay $0x6  }
0x4e: {  	v1 =	vld [tilespmem:s3+$0x14040]  }
0x4f: {  	v50 =	vld.idx.msk [tilespmem:v0+s15+$0x0], $0xffff  }
0x50: {  	v0 =	vld.idx.msk [tilespmem:v0+s18+$0x0], $0xffff;
	_ =	sdelay $0x3  }
0x51: {  	v1 =	vshll.u32 v1, $0x7  }
0x52: {  	v1 =	vadd.s32 v1, v50;
	[tilespmem:$0x1B0C0] =	vst v0  }
0x53: {  	[tilespmem:$0x1B040] =	vst v1  }
0x54: {  	v0 =	vld [tilespmem:s3+$0x15050];
	_ =	sdelay $0x6  }
0x55: {  	v1 =	vld [tilespmem:s3+$0x14050]  }
0x56: {  	v51 =	vld.idx.msk [tilespmem:v0+s15+$0x0], $0xffff  }
0x57: {  	v0 =	vld.idx.msk [tilespmem:v0+s18+$0x0], $0xffff;
	_ =	sdelay $0x3  }
0x58: {  	v1 =	vshll.u32 v1, $0x7  }
0x59: {  	v1 =	vadd.s32 v1, v51;
	[tilespmem:$0x1B0D0] =	vst v0  }
0x5a: {  	[tilespmem:$0x1B050] =	vst v1  }
0x5b: {  	v0 =	vld [tilespmem:s3+$0x15060];
	_ =	sdelay $0x6  }
0x5c: {  	v1 =	vld [tilespmem:s3+$0x14060]  }
0x5d: {  	v52 =	vld.idx.msk [tilespmem:v0+s15+$0x0], $0xffff  }
0x5e: {  	v0 =	vld.idx.msk [tilespmem:v0+s18+$0x0], $0xffff;
	_ =	sdelay $0x3  }
0x5f: {  	v1 =	vshll.u32 v1, $0x7  }
0x60: {  	v1 =	vadd.s32 v1, v52;
	[tilespmem:$0x1B0E0] =	vst v0  }
0x61: {  	[tilespmem:$0x1B060] =	vst v1  }
0x62: {  	v0 =	vld [tilespmem:s3+$0x15070];
	_ =	sdelay $0x6  }
0x63: {  	v1 =	vld [tilespmem:s3+$0x14070]  }
0x64: {  	v53 =	vld.idx.msk [tilespmem:v0+s15+$0x0], $0xffff  }
0x65: {  	v0 =	vld.idx.msk [tilespmem:v0+s18+$0x0], $0xffff;
	_ =	sdelay $0x3  }
0x66: {  	v1 =	vshll.u32 v1, $0x7  }
0x67: {  	v1 =	vadd.s32 v1, v53;
	[tilespmem:$0x1B0F0] =	vst v0  }
0x68: {  	s2 =	simm.s32 @!p0 $0x2;
	[tilespmem:$0x1B070] =	vst v1  }
0x69: {  	[spmem:s1] =	stream.indirect.scatter.add.f32 [tilespmem:s22], [sflag:$0x1], $0x1, s21, s16, $0xb8;
	[tilespmem:$0x1B200] =	vst v63  }
0x6a: {  	_ =	swait.ge @!p0 [sflag:s2], $0x80  }
0x6b: {  	[sflag:s2] =	ssyncset.done @!p0 $0x0  }
0x6c: {  	[sflag:s2] =	ssyncadd.s32 @!p0 $0xFFFFFF80  }
0x6d: {  	v54 =	vld [tilespmem:s3+$0x15080];
	_ =	sdelay $0x6  }
0x6e: {  	v55 =	vld [tilespmem:s3+$0x14080]  }
0x6f: {  	v56 =	vld.idx.msk [tilespmem:v54+s15+$0x0], $0xffff  }
0x70: {  	v0 =	vld.idx.msk [tilespmem:v54+s18+$0x0], $0xffff;
	_ =	sdelay $0x3  }
0x71: {  	v1 =	vshll.u32 v55, $0x7  }
0x72: {  	v1 =	vadd.s32 v1, v56;
	[tilespmem:$0x1B180] =	vst v0  }
0x73: {  	[tilespmem:$0x1B100] =	vst v1  }
0x74: {  	v0 =	vld [tilespmem:s3+$0x15090];
	_ =	sdelay $0x6  }
0x75: {  	v1 =	vld [tilespmem:s3+$0x14090]  }
0x76: {  	v57 =	vld.idx.msk [tilespmem:v0+s15+$0x0], $0xffff  }
0x77: {  	v0 =	vld.idx.msk [tilespmem:v0+s18+$0x0], $0xffff;
	_ =	sdelay $0x3  }
0x78: {  	v1 =	vshll.u32 v1, $0x7  }
0x79: {  	v1 =	vadd.s32 v1, v57;
	[tilespmem:$0x1B190] =	vst v0  }
0x7a: {  	[tilespmem:$0x1B110] =	vst v1  }
0x7b: {  	v0 =	vld [tilespmem:s3+$0x150A0];
	_ =	sdelay $0x6  }
0x7c: {  	v1 =	vld [tilespmem:s3+$0x140A0]  }
0x7d: {  	v58 =	vld.idx.msk [tilespmem:v0+s15+$0x0], $0xffff  }
0x7e: {  	v0 =	vld.idx.msk [tilespmem:v0+s18+$0x0], $0xffff;
	_ =	sdelay $0x3  }
0x7f: {  	v1 =	vshll.u32 v1, $0x7  }
0x80: {  	v1 =	vadd.s32 v1, v58;
	[tilespmem:$0x1B1A0] =	vst v0  }
0x81: {  	[tilespmem:$0x1B120] =	vst v1  }
0x82: {  	v0 =	vld [tilespmem:s3+$0x150B0];
	_ =	sdelay $0x6  }
0x83: {  	v1 =	vld [tilespmem:s3+$0x140B0]  }
0x84: {  	v59 =	vld.idx.msk [tilespmem:v0+s15+$0x0], $0xffff  }
0x85: {  	v0 =	vld.idx.msk [tilespmem:v0+s18+$0x0], $0xffff;
	_ =	sdelay $0x3  }
0x86: {  	v1 =	vshll.u32 v1, $0x7  }
0x87: {  	v1 =	vadd.s32 v1, v59;
	[tilespmem:$0x1B1B0] =	vst v0  }
0x88: {  	[tilespmem:$0x1B130] =	vst v1  }
0x89: {  	v0 =	vld [tilespmem:s3+$0x150C0];
	_ =	sdelay $0x6  }
0x8a: {  	v1 =	vld [tilespmem:s3+$0x140C0]  }
0x8b: {  	v60 =	vld.idx.msk [tilespmem:v0+s15+$0x0], $0xffff  }
0x8c: {  	v0 =	vld.idx.msk [tilespmem:v0+s18+$0x0], $0xffff;
	_ =	sdelay $0x3  }
0x8d: {  	v1 =	vshll.u32 v1, $0x7  }
0x8e: {  	v1 =	vadd.s32 v1, v60;
	[tilespmem:$0x1B1C0] =	vst v0  }
0x8f: {  	[tilespmem:$0x1B140] =	vst v1  }
0x90: {  	v0 =	vld [tilespmem:s3+$0x150D0];
	_ =	sdelay $0x6  }
0x91: {  	v1 =	vld [tilespmem:s3+$0x140D0]  }
0x92: {  	v61 =	vld.idx.msk [tilespmem:v0+s15+$0x0], $0xffff  }
0x93: {  	v0 =	vld.idx.msk [tilespmem:v0+s18+$0x0], $0xffff;
	_ =	sdelay $0x3  }
0x94: {  	v1 =	vshll.u32 v1, $0x7  }
0x95: {  	v1 =	vadd.s32 v1, v61;
	[tilespmem:$0x1B1D0] =	vst v0  }
0x96: {  	[tilespmem:$0x1B150] =	vst v1  }
0x97: {  	v0 =	vld [tilespmem:s3+$0x150E0];
	_ =	sdelay $0x6  }
0x98: {  	v1 =	vld [tilespmem:s3+$0x140E0]  }
0x99: {  	v62 =	vld.idx.msk [tilespmem:v0+s15+$0x0], $0xffff  }
0x9a: {  	v0 =	vld.idx.msk [tilespmem:v0+s18+$0x0], $0xffff;
	_ =	sdelay $0x3  }
0x9b: {  	v1 =	vshll.u32 v1, $0x7  }
0x9c: {  	v1 =	vadd.s32 v1, v62;
	[tilespmem:$0x1B1E0] =	vst v0  }
0x9d: {  	[tilespmem:$0x1B160] =	vst v1  }
0x9e: {  	v0 =	vld [tilespmem:s3+$0x150F0];
	_ =	sdelay $0x6  }
0x9f: {  	v1 =	vld [tilespmem:s3+$0x140F0]  }
0xa0: {  	v63 =	vld.idx.msk [tilespmem:v0+s15+$0x0], $0xffff  }
0xa1: {  	v0 =	vld.idx.msk [tilespmem:v0+s18+$0x0], $0xffff  }
0xa2: {  	s0 =	sadd.s32 $0x400, s0  }
0xa3: {  	p0 =	sne.s32 s0, $0x4000  }
.Ltmp0:
0xa4: {  	_ = 	snop;
	(pc) =	sbr.rel @p0 .LBB2_3-.Ltmp0, $4  }
0xa5: {  	v1 =	vshll.u32 v1, $0x7  }
0xa6: {  	v1 =	vadd.s32 v1, v63;
	[tilespmem:$0x1B1F0] =	vst v0  }
0xa7: {  	[tilespmem:$0x1B170] =	vst v1  }
0xa8: {  	[spmem:s1] =	stream.indirect.scatter.add.f32 [tilespmem:s24], [sflag:$0x2], $0x1, s23, s16, $0xb8;
	[tilespmem:$0x1B200] =	vst v63  }
0xa9: {  	s31 =	sadd.s32 $0x1, s31  }
0xaa: {  	_ =	swait.ge [sflag:s25], $0x80;
	p0 =	sne.s32 s31, $0xA  }
.Ltmp1:
0xab: {  	[sflag:s25] =	ssyncset.done $0x0;
	(pc) =	sbr.rel @p0 .LBB2_2-.Ltmp1, $4  }
0xac: {  	[sflag:s25] =	ssyncadd.s32 $0xFFFFFF80  }
0xad: {  	_ =	swait.ge [sflag:s26], $0x80  }
0xae: {  	[sflag:s26] =	ssyncset.done $0x0  }
0xaf: {  	[sflag:s26] =	ssyncadd.s32 $0xFFFFFF80  }
0xb0: {  	s30 =	sadd.s32 $0x1, s30  }
0xb1: {  	p0 =	sne.s32 s30, s12  }
.Ltmp2:
0xb2: {  	[bflag:$0x0] =	sbarrier.arrive $0xFFFF;
	(pc) =	sbr.rel @p0 .LBB2_1-.Ltmp2, $4  }
0xb3: {  	[hbm:s11@s28], [sflag:s8] =	dma.strided [spmem:s13@s29], $0x2800, s25, $0x10   }
0xb4: {  	_ =	swait.ge [sflag:s14], $0x2800  }
0xb5: {  	[sflag:s14] =	ssyncset.done $0x0  }
0xb6: {  	[sflag:s14] =	ssyncadd.s32 $0xFFFFD800  }
0xb7: {  	_ =	sfence.sel $0x180000  }
0xb8: {  	[bflag:$0x0] =	sbarrier.arrive $0xFFFF  }
0xb9: {  	_ =	strace $0x9000004A  }
0xba: {  	s0 =	stileid.u32;
	[bflag:$0x2] =	sbarrier.arrive $0xFFFF  }
0xbb: {  	p0 =	sne.s32 s0, $0x0;
	s0 =	rddreg [dreg:$0x2]  }
0xbc: {  	s0 =	sadd.s32 @!p0 $0x100000, s0  }
0xbd: {  	[sflag:s0] =	ssyncadd.tile.s32 @!p0 $0x1;
	_ =	shalt  }
.Lfunc_end2:
_tile_overlayer_lowered:
.L_overlay_start_2:
0xbe: {  	(tag) =	ssettag $0x2  }
0xbf: {  	s0 =	rddreg [dreg:$0x0];
	s2 =	stileid.u32  }
0xc0: {  	s1 =	rddreg [dreg:$0x1];
	p0 =	sne.s32 s2, $0x0  }
0xc1: {  	s3 =	rddreg [dreg:$0x2];
	[bflag:$0x3] =	sbarrier.arrive $0xFFFF;
	s2 =	simm.s32 @!p0 $0x1C03  }
0xc2: {  	[timem:s3], [sflag:s2] =	dma.local @!p0 [hbm:s0], s1  }
0xc3: {  	s0 =	simm.s32 @!p0 $0x3  }
0xc4: {  	_ =	swait.ge @!p0 [sflag:s0], s1  }
0xc5: {  	s1 =	ssub.s32 @!p0 $0x0, s1;
	[sflag:s0] =	ssyncset.done @!p0 $0x0  }
0xc6: {  	[sflag:s0] =	ssyncadd.s32 @!p0 s1  }
0xc7: {  	[bflag:$0x3] =	sbarrier.arrive $0xFFFF  }
0xc8: {  	_ =	shalt  }

// kernel: kernel.9.cloned.1.call-start
scs
__scs_entry_jumppad:
0x0: {  	(pc) =	sbr.rel $0x88, $3  }
0x1: {  	(tag) =	ssettag $0x0;
	lr =	simm.s32 $0x1  }
0x2: {  	[smem:$0x3F91] =	sst lr;
	_ =	strace $0xD0000000  }
0x3: {  	_ = 	snop  }
0x4: {  	_ = 	snop  }
0x5: {  	_ = 	snop  }
0x6: {  	_ = 	snop  }
0x7: {  	_ = 	snop  }
__scs_overlays_trampoline_lowered:
0x8: {  	[smem:$0x3FA0] =	sst s0  }
0x9: {  	[smem:$0x3FA1] =	sst s1  }
0xa: {  	[smem:$0x3FA2] =	sst s2  }
0xb: {  	[smem:$0x3FA3] =	sst s3  }
0xc: {  	[smem:$0x3FA4] =	sst s4  }
0xd: {  	[smem:$0x3FA5] =	sst s5  }
0xe: {  	[smem:$0x3FA6] =	sst s6  }
0xf: {  	[smem:$0x3FA7] =	sst s7  }
0x10: {  	[smem:$0x3FA8] =	sst s8  }
0x11: {  	[smem:$0x3FA9] =	sst s9;
	s0 =	simm.s32 @!p0 $0x0  }
0x12: {  	s1 =	sld [smem:$0x3F8F];
	s0 =	simm.s32 @p0 $0x1  }
0x13: {  	[smem:$0x3FAA] =	sst s0;
	s0 =	simm.s32 @!p1 $0x0  }
0x14: {  	s2 =	sld [smem:$0x3F8E];
	s0 =	simm.s32 @p1 $0x1  }
0x15: {  	[smem:$0x3FAB] =	sst s0;
	s0 =	simm.s32 @!p2 $0x0  }
0x16: {  	s3 =	sld [smem:$0x3FDB];
	s0 =	simm.s32 @p2 $0x1  }
0x17: {  	s4 =	simm.s32 $0x1BF5;
	[smem:$0x3FAD] =	sst s0  }
0x18: {  	s0 =	sld [smem:$0x3F90];
	_ =	swait.ge [sflag:s4], $0x0  }
0x19: {  	s7 =	sld [smem:$0x3F91]  }
0x1a: {  	s8 =	sadd.s32 $0xFFFFE003, lr  }
0x1b: {  	s9 =	sadd.s32 $0xFFFFFEF7, lr;
	s5 =	simm.s32 $0xFFFFFFFF;
	p2 =	slt.u32 s8, $0xFFFFF086  }
0x1c: {  	p1 =	slt.u32 s9, $0xF7A;
	s5 =	simm.s32 @!p2 $0x0  }
0x1d: {  	s5 =	simm.s32 @p1 $0x1;
	p0 =	seq.s32 s7, s2  }
0x1e: {  	s7 =	smul.u32 @!p0 $0xF7A, s2;
	p2 =	seq.s32 @!p0 s5, $0x0  }
0x1f: {  	s9 =	smul.u32 $0xF7A, s1;
	s8 =	simm.s32 @!p0 $0x1BF5;
	p2 =	por !p2, p0  }
0x20: {  	[sflag:s8] =	ssyncset.s32 @!p0 $0xFFFFF086;
	s6 =	sadd.s32 @!p0 s3, s7;
	s7 =	simm.s32 @!p0 $0x108  }
0x21: {  	s3 =	sadd.s32 s3, s9;
	s6 =	sadd.s32 @!p0 $0x88, s6;
	s7 =	simm.s32 @p2 $0x1082  }
0x22: {  	[simem:s7], [sflag:s8] =	dma.local @!p0 [hbm:s6], $0xF7A  }
0x23: {  	s9 =	sor.u32 $0xD0000000, s2;
	s6 =	simm.s32 $0x108;
	_ =	swait.ge @!p0 [sflag:s8], $0x0  }
0x24: {  	s3 =	sadd.s32 $0x88, s3;
	s6 =	simm.s32 @!p1 $0x1082;
	[sflag:s4] =	ssyncset.s32 $0xFFFFF086  }
0x25: {  	[simem:s6], [sflag:s4] =	dma.local [hbm:s3], $0xF7A  }
0x26: {  	[smem:$0x3F91] =	sst s1;
	(tag) =	ssettag s2;
	_ =	strace s9  }
0x27: {  	s1 =	sld [smem:$0x3FA1]  }
0x28: {  	s2 =	sld [smem:$0x3FA2]  }
0x29: {  	s4 =	sld [smem:$0x3FA4]  }
0x2a: {  	p0 =	seq.s32 s5, $0x0;
	s5 =	sld [smem:$0x3FA5]  }
0x2b: {  	s6 =	sld [smem:$0x3FA6]  }
0x2c: {  	s7 =	sld [smem:$0x3FA7]  }
0x2d: {  	s3 =	simm.s32 $0x108;
	s8 =	sld [smem:$0x3FA8]  }
0x2e: {  	s3 =	simm.s32 @!p0 $0x1082;
	s9 =	sld [smem:$0x3FA9]  }
0x2f: {  	lr =	sadd.s32 s0, s3;
	s0 =	sld [smem:$0x3FA0]  }
0x30: {  	s3 =	sld [smem:$0x3FA3]  }
0x31: {  	[smem:$0x3FAC] =	sst s10  }
0x32: {  	s10 =	sld [smem:$0x3FAA];
	_ =	sdelay $0x3  }
0x33: {  	p0 =	seq.s32 s10, $0x1;
	s10 =	sld [smem:$0x3FAC];
	_ =	sdelay $0x3  }
0x34: {  	[smem:$0x3FAC] =	sst s10  }
0x35: {  	s10 =	sld [smem:$0x3FAB];
	_ =	sdelay $0x3  }
0x36: {  	p1 =	seq.s32 s10, $0x1;
	s10 =	sld [smem:$0x3FAC];
	_ =	sdelay $0x3  }
0x37: {  	[smem:$0x3FAC] =	sst s10  }
0x38: {  	s10 =	sld [smem:$0x3FAD]  }
0x39: {  	_ = 	snop;
	(pc) =	sbr.ind lr, $3  }
0x3a: {  	_ = 	snop  }
0x3b: {  	_ = 	snop  }
0x3c: {  	p2 =	seq.s32 s10, $0x1;
	s10 =	sld [smem:$0x3FAC]  }
0x3d: {  	_ =	shalt  }
0x3e: {  	_ =	shalt  }
0x3f: {  	_ =	shalt  }
0x40: {  	_ =	shalt  }
0x41: {  	_ =	shalt  }
0x42: {  	_ =	shalt  }
0x43: {  	_ =	shalt  }
0x44: {  	_ =	shalt  }
0x45: {  	_ =	shalt  }
0x46: {  	_ =	shalt  }
0x47: {  	_ =	shalt  }
0x48: {  	_ =	shalt  }
0x49: {  	_ =	shalt  }
0x4a: {  	_ =	shalt  }
0x4b: {  	_ =	shalt  }
0x4c: {  	_ =	shalt  }
0x4d: {  	_ =	shalt  }
0x4e: {  	_ =	shalt  }
0x4f: {  	_ =	shalt  }
0x50: {  	_ =	shalt  }
0x51: {  	_ =	shalt  }
0x52: {  	_ =	shalt  }
0x53: {  	_ =	shalt  }
0x54: {  	_ =	shalt  }
0x55: {  	_ =	shalt  }
0x56: {  	_ =	shalt  }
0x57: {  	_ =	shalt  }
0x58: {  	_ =	shalt  }
0x59: {  	_ =	shalt  }
0x5a: {  	_ =	shalt  }
0x5b: {  	_ =	shalt  }
0x5c: {  	_ =	shalt  }
0x5d: {  	_ =	shalt  }
0x5e: {  	_ =	shalt  }
0x5f: {  	_ =	shalt  }
0x60: {  	_ =	shalt  }
0x61: {  	_ =	shalt  }
0x62: {  	_ =	shalt  }
0x63: {  	_ =	shalt  }
0x64: {  	_ =	shalt  }
0x65: {  	_ =	shalt  }
0x66: {  	_ =	shalt  }
0x67: {  	_ =	shalt  }
0x68: {  	_ =	shalt  }
0x69: {  	_ =	shalt  }
0x6a: {  	_ =	shalt  }
0x6b: {  	_ =	shalt  }
0x6c: {  	_ =	shalt  }
0x6d: {  	_ =	shalt  }
0x6e: {  	_ =	shalt  }
0x6f: {  	_ =	shalt  }
0x70: {  	_ =	shalt  }
0x71: {  	_ =	shalt  }
0x72: {  	_ =	shalt  }
0x73: {  	_ =	shalt  }
0x74: {  	_ =	shalt  }
0x75: {  	_ =	shalt  }
0x76: {  	_ =	shalt  }
0x77: {  	_ =	shalt  }
0x78: {  	_ =	shalt  }
0x79: {  	_ =	shalt  }
0x7a: {  	_ =	shalt  }
0x7b: {  	_ =	shalt  }
0x7c: {  	_ =	shalt  }
0x7d: {  	_ =	shalt  }
0x7e: {  	_ =	shalt  }
0x7f: {  	_ =	shalt  }
0x80: {  	_ =	shalt  }
0x81: {  	_ =	shalt  }
0x82: {  	_ =	shalt  }
0x83: {  	_ =	shalt  }
0x84: {  	_ =	shalt  }
0x85: {  	_ =	shalt  }
0x86: {  	_ =	shalt  }
0x87: {  	_ =	shalt  }
.Lfunc_end0:
.L_simem_size_0:
called_computation_lowered:
.L_overlay_start_0:
0x88: {  	s2 =	sld [smem:$0x3FD9]  }
0x89: {  	s3 =	sld [smem:$0x3FFE];
	_ =	sdelay $0x1  }
0x8a: {  	s1 =	srdreg.scid  }
0x8b: {  	s0 =	sand.u32 $0x1, s1  }
0x8c: {  	s17 =	sshll.u32 s0, $0xA;
	s2 =	sadd.s32 s3, s2  }
0x8d: {  	s2 =	sadd.s32 s2, s17  }
0x8e: {  	[smem:$0x3FB8] =	sst s2  }
0x8f: {  	_ = 	snop  }
0x90: {  	s2 =	sld [smem:$0x3FD0];
	(tm) =	ssettm $0x1  }
0x91: {  	s18 =	sld [smem:$0x3FFB];
	_ =	sdelay $0x3  }
0x92: {  	_ =	strace s18  }
0x93: {  	s3 =	sld [smem:$0x3FFC];
	_ =	sdelay $0x3  }
0x94: {  	_ =	strace s3  }
0x95: {  	s3 =	sld [smem:$0x3FFD];
	_ =	sdelay $0x3  }
0x96: {  	_ =	strace s3  }
0x97: {  	_ =	strace $0x8FFFFFFF  }
0x98: {  	s19 =	sld [smem:$0x3FDB];
	_ =	sdelay $0x1  }
0x99: {  	s4 =	simm.s32 $_scs_section_size  }
0x9a: {  	s5 =	simm.s32 $_size__tile_overlayer_lowered;
	s6 =	simm.s32 $_tile_overlayer_lowered  }
0x9b: {  	s22 =	simm.s32 $0x1BFF;
	s21 =	sshll.u32 s6, $0x1;
	s3 =	sadd.s32 s4, s19  }
0x9c: {  	s7 =	simm.s32 $0x0;
	s20 =	sshll.u32 s5, $0x1;
	s5 =	sadd.s32 s21, s3  }
0x9d: {  	[timem:s7], [sflag:s22] =	dma.local [hbm:s5], s20  }
0x9e: {  	_ =	swait.ge [sflag:s22], s20  }
0x9f: {  	s4 =	ssub.s32 $0x0, s20;
	[sflag:s22] =	ssyncset.done $0x0  }
0xa0: {  	[sflag:s22] =	ssyncadd.s32 s4;
	_ =	sdelay $0x1  }
0xa1: {  	s23 =	simm.s32 $0x1B8B  }
0xa2: {  	_ =	swait.ge [sflag:s23], $0x1  }
0xa3: {  	[sflag:s23] =	ssyncset.done $0x0  }
0xa4: {  	s25 =	simm.s32 $0x1B8E;
	s24 =	sld [smem:$0x3FFE];
	[sflag:s23] =	ssyncadd.s32 $0xFFFFFFFF  }
0xa5: {  	s26 =	simm.s32 $execute0_lowered;
	[smem:$0x3FD2] =	sst s25  }
0xa6: {  	s5 =	sshll.u32 s26, $0x1;
	_ =	strace $0x80000046;
	[dreg:$0x1] =	wrdreg $0xFFFFFFFF  }
0xa7: {  	s28 =	simm.s32 $_size_execute0_lowered;
	s3 =	sadd.s32 s3, s5;
	[dreg:$0x0] =	wrdreg $0x0  }
0xa8: {  	s5 =	sshll.u32 s28, $0x1;
	[dreg:$0x2] =	wrdreg s3  }
0xa9: {  	[dreg:$0x3] =	wrdreg s5  }
0xaa: {  	[dreg:$0x4] =	wrdreg $0xC0  }
0xab: {  	_ =	task [dreg:s7], $0x5FFFF  }
0xac: {  	[dreg:$0x1] =	wrdreg $0xFFFFFFFF  }
0xad: {  	[dreg:$0x0] =	wrdreg $0x60  }
0xae: {  	[dreg:$0x2] =	wrdreg s24  }
0xaf: {  	[dreg:$0x3] =	wrdreg s2  }
0xb0: {  	[dreg:$0x4] =	wrdreg $0x0  }
0xb1: {  	[dreg:$0x5] =	wrdreg $0x2800  }
0xb2: {  	[dreg:$0x6] =	wrdreg $0x9  }
0xb3: {  	_ =	task.clear_ibuf [dreg:s7], $0x7FFFF;
	_ =	strace $0x90000046  }
0xb4: {  	s29 =	simm.s32 $0x9;
	_ =	strace $0x80000048  }
0xb5: {  	_ =	swait.ge [sflag:s29], $0x1  }
0xb6: {  	[sflag:s29] =	ssyncadd.s32 $0xFFFFFFFF  }
0xb7: {  	_ =	strace $0x90000048  }
0xb8: {  	_ =	sfence  }
0xb9: {  	s30 =	sld [smem:$0x0];
	_ =	sdelay $0x2  }
0xba: {  	s31 =	sshll.u32 s1, $0xD;
	s1 =	sshrl.u32 s1, $0x2  }
0xbb: {  	s3 =	sand.u32 $0x4000, s31;
	s1 =	sadd.s32 s1, s30  }
0xbc: {  	s0 =	sor.u32 s3, s0;
	s1 =	sshll.u32 s1, $0x11  }
0xbd: {  	s0 =	sor.u32 s1, s0  }
0xbe: {  	s0 =	sadd.s32 $0x8F2B, s0  }
0xbf: {  	[sflag:s0] =	ssyncadd.remote.s32 $0x1  }
0xc0: {  	_ =	sfence.sel $0xFFFF  }
0xc1: {  	[dreg:$0x0] =	wrdreg $0xFFFFFFFF;
	(pc) =	sbr.abs _section_cstart, $3  }
0xc2: {  	[dreg:$0x1] =	wrdreg $0xFFFFFFFF  }
0xc3: {  	_ =	task.clear_ibuf [dreg:s7], $0x2FFFF;
	_ =	strace $0x9FFFFFFF  }
0xc4: {  	(tm) =	ssettm $0x7FFFFFFF  }
0xc5: {  	_ =	shalt  }
tec
execute0_lowered:
.L_overlay_start_1:
0x0: {  	(tag) =	ssettag $0x1  }
0x1: {  	s5 =	rddreg [dreg:$0x0]  }
0x2: {  	s9 =	rddreg [dreg:$0x1]  }
0x3: {  	s0 =	srdreg.scid;
	s1 =	rddreg [dreg:$0x2]  }
0x4: {  	s12 =	stileid.u32;
	s2 =	rddreg [dreg:$0x3]  }
0x5: {  	s3 =	simm.s32 $0x0;
	s15 =	simm.s32 $0x290;
	s16 =	simm.s32 $0xA290  }
0x6: {  	s17 =	simm.s32 $0x80;
	s20 =	simm.s32 $0x20;
	s21 =	simm.s32 $0x10  }
0x7: {  	s22 =	simm.s32 $0x0;
	s19 =	sand.u32 $0x1, s0;
	s6 =	smul.u32 $0x500, s12  }
0x8: {  	[smem:$0x7FF] =	sst s3;
	s10 =	smul.u32 $0x280, s12;
	s30 =	sshll.u32 s12, $0x6  }
0x9: {  	s31 =	sshll.u32 s12, $0x7;
	p0 =	sne.s32 s12, $0x0;
	s0 =	sshll.u32 s19, $0x4  }
0xa: {  	s7 =	sshll.u32 s19, $0x7;
	s26 =	ssub.s32 $0x2, s19;
	s9 =	sadd.s32 s9, s31  }
0xb: {  	s18 =	sor.u32 s12, s19;
	p2 =	sne.s32 s19, $0x0;
	s0 =	sor.u32 s12, s0  }
0xc: {  	s25 =	sor.u32 s7, s6;
	s28 =	sshrl.u32 s26, $0x1;
	s29 =	sshrl.u32 s10, $0x3  }
0xd: {  	s14 =	sadd.s32 s10, s1;
	s7 =	sor.u32 $0x1C01, s30;
	p1 =	sne.s32 s18, $0x0  }
0xe: {  	s18 =	simm.s32 $0xA690;
	s4 =	smul.u32 $0x1400, s0;
	s0 =	rddreg [dreg:$0x4]  }
0xf: {  	_ =	strace $0x80000047;
	s6 =	sshrl.u32 s25, $0x3;
	s13 =	ssub.s32 s26, s28  }
0x10: {  	s12 =	sshrl.u32 s14, $0x3;
	s14 =	sshrl.u32 @!p0 s2, $0x3;
	s19 =	sshrl.u32 @!p1 s2, $0x3  }
0x11: {  	s11 =	sadd.s32 s6, s5;
	s8 =	sadd.s32 s4, s5;
	s4 =	sadd.s32 $0x2E800, s5  }
0x12: {  	s5 =	sadd.s32 $0x2F800, s5;
	s10 =	sadd.s32 $0x2EE00, s11;
	s11 =	smax.u32 s13, $0x1  }
0x13: {  	v0 =	vimm.f32 $1.000000000e+00;
	s13 =	simm.s32 $0x1;
	s6 =	sadd.s32 s4, s29;
	s8 =	sadd.s32 $0x6200, s8  }
.LBB2_1:
0x14: {  	[spmem:s12], [sflag:s7] =	dma.local [hbm:s6], $0x50  }
0x15: {  	_ =	swait.ge [sflag:s13], $0x50  }
0x16: {  	[sflag:s13] =	ssyncset.done $0x0  }
0x17: {  	s23 =	simm.s32 @!p0 $0x1;
	[sflag:s13] =	ssyncadd.s32 $0xFFFFFFB0  }
0x18: {  	[spmem:s14], [sflag:s7] =	dma.local @!p0 [hbm:s4], $0x20  }
0x19: {  	_ =	swait.ge @!p0 [sflag:s23], $0x20  }
0x1a: {  	[sflag:s23] =	ssyncset.done @!p0 $0x0  }
0x1b: {  	[sflag:s23] =	ssyncadd.s32 @!p0 $0xFFFFFFE0  }
0x1c: {  	[tilespmem:$0xA690] =	vst v0  }
0x1d: {  	[tilespmem:$0xA6A0] =	vst v0  }
0x1e: {  	[tilespmem:$0xA6B0] =	vst v0  }
0x1f: {  	[tilespmem:$0xA6C0] =	vst v0  }
0x20: {  	[tilespmem:$0xA6D0] =	vst v0  }
0x21: {  	[tilespmem:$0xA6E0] =	vst v0  }
0x22: {  	[tilespmem:$0xA6F0] =	vst v0  }
0x23: {  	[tilespmem:$0xA700] =	vst v0  }
0x24: {  	[tilespmem:s15], [sflag:$0x1] =	stream.linear.gather [hbm4b:s8+s3], $0xA000, $0x38;
	[tilespmem:$0xA710] =	vst v63  }
0x25: {  	_ =	swait.ge [sflag:s13], $0xA000  }
0x26: {  	[sflag:s13] =	ssyncset.done $0x0  }
0x27: {  	[sflag:s13] =	ssyncadd.s32 $0xFFFF6000  }
0x28: {  	[tilespmem:s16], [sflag:$0x1] =	stream.linear.gather [hbm4b:s9+s3], $0x280, $0x38;
	[tilespmem:$0xA710] =	vst v63  }
0x29: {  	_ =	swait.ge [sflag:s13], $0x280  }
0x2a: {  	[sflag:s13] =	ssyncset.done $0x0  }
0x2b: {  	[sflag:s13] =	ssyncadd.s32 $0xFFFFFD80  }
0x2c: {  	s31 =	simm.s32 $0x290;
	[bflag:$0x0] =	sbarrier.arrive $0xFFFF  }
0x2d: {  	[spmem:s1] =	stream.indirect.scatter.add.f32 [tilespmem:s18], [sflag:$0x1], $0x1, s31, s17, $0xb8;
	[tilespmem:$0xA710] =	vst v63  }
0x2e: {  	s23 =	simm.s32 $0x200;
	_ =	swait.ge [sflag:s13], $0x80  }
.LBB2_2:
0x2f: {  	s24 =	sshra.s32 s23, $0x2;
	[sflag:s13] =	ssyncset.done $0x0;
	p3 =	sne.s32 s23, $0x27E00  }
.Ltmp0:
0x30: {  	s24 =	sadd.s32 $0x290, s24;
	[sflag:s13] =	ssyncadd.s32 $0xFFFFFF80;
	(pc) =	sbr.rel @p3 .LBB2_2-.Ltmp0, $3  }
0x31: {  	[spmem:s1] =	stream.indirect.scatter.add.f32 [tilespmem:s18], [sflag:$0x1], $0x1, s24, s17, $0xb8;
	[tilespmem:$0xA710] =	vst v63  }
0x32: {  	s23 =	sadd.s32 $0x200, s23;
	_ =	sdelay $0x1  }
0x33: {  	_ =	swait.ge [sflag:s13], $0x80  }
0x34: {  	[sflag:s13] =	ssyncset.done $0x0;
	s23 =	simm.s32 @!p2 $0x80  }
0x35: {  	s24 =	simm.s32 @!p2 $0xA290;
	s25 =	simm.s32 @!p2 $0xA690;
	[sflag:s13] =	ssyncadd.s32 $0xFFFFFF80  }
0x36: {  	[spmem:s2] =	stream.indirect.scatter.add.f32 @!p2 [tilespmem:s25], [sflag:$0x1], $0x1, s24, s23, $0xb8;
	[tilespmem:$0xA710] =	vst v63  }
0x37: {  	s24 =	simm.s32 @!p2 $0x1  }
0x38: {  	_ =	swait.ge @!p2 [sflag:s24], $0x80  }
0x39: {  	[sflag:s24] =	ssyncset.done @!p2 $0x0  }
0x3a: {  	s26 =	simm.s32 @!p2 $0xA310;
	[sflag:s24] =	ssyncadd.s32 @!p2 $0xFFFFFF80  }
0x3b: {  	[spmem:s2] =	stream.indirect.scatter.add.f32 @!p2 [tilespmem:s25], [sflag:$0x1], $0x1, s26, s23, $0xb8;
	[tilespmem:$0xA710] =	vst v63  }
0x3c: {  	_ =	swait.ge @!p2 [sflag:s24], $0x80  }
0x3d: {  	[sflag:s24] =	ssyncset.done @!p2 $0x0  }
0x3e: {  	s26 =	simm.s32 @!p2 $0xA390;
	[sflag:s24] =	ssyncadd.s32 @!p2 $0xFFFFFF80  }
0x3f: {  	[spmem:s2] =	stream.indirect.scatter.add.f32 @!p2 [tilespmem:s25], [sflag:$0x1], $0x1, s26, s23, $0xb8;
	[tilespmem:$0xA710] =	vst v63  }
0x40: {  	_ =	swait.ge @!p2 [sflag:s24], $0x80  }
0x41: {  	[sflag:s24] =	ssyncset.done @!p2 $0x0  }
0x42: {  	s26 =	simm.s32 @!p2 $0xA410;
	[sflag:s24] =	ssyncadd.s32 @!p2 $0xFFFFFF80  }
0x43: {  	[spmem:s2] =	stream.indirect.scatter.add.f32 @!p2 [tilespmem:s25], [sflag:$0x1], $0x1, s26, s23, $0xb8;
	[tilespmem:$0xA710] =	vst v63  }
0x44: {  	_ =	swait.ge @!p2 [sflag:s24], $0x80  }
0x45: {  	[sflag:s24] =	ssyncset.done @!p2 $0x0  }
0x46: {  	s26 =	simm.s32 @!p2 $0xA490;
	[sflag:s24] =	ssyncadd.s32 @!p2 $0xFFFFFF80  }
0x47: {  	[spmem:s2] =	stream.indirect.scatter.add.f32 @!p2 [tilespmem:s25], [sflag:$0x1], $0x1, s26, s23, $0xb8;
	[tilespmem:$0xA710] =	vst v63  }
0x48: {  	_ =	swait.ge @!p2 [sflag:s24], $0x80  }
0x49: {  	[sflag:s24] =	ssyncset.done @!p2 $0x0  }
0x4a: {  	[sflag:s24] =	ssyncadd.s32 @!p2 $0xFFFFFF80  }
0x4b: {  	s23 =	simm.s32 @!p1 $0x1;
	[bflag:$0x0] =	sbarrier.arrive $0xFFFF  }
0x4c: {  	[hbm:s5], [sflag:s7] =	dma.local @!p1 [spmem:s19], $0x20  }
0x4d: {  	s22 =	sadd.s32 $0x1, s22;
	_ =	swait.ge @!p1 [sflag:s23], $0x20  }
0x4e: {  	p3 =	sne.s32 s22, s11;
	[sflag:s23] =	ssyncset.done @!p1 $0x0  }
.Ltmp1:
0x4f: {  	[sflag:s23] =	ssyncadd.s32 @!p1 $0xFFFFFFE0;
	(pc) =	sbr.rel @p3 .LBB2_1-.Ltmp1, $4  }
0x50: {  	[hbm:s10@s20], [sflag:s7] =	dma.strided [spmem:s12@s21], $0x50, s13, $0x10   }
0x51: {  	_ =	swait.ge [sflag:s13], $0x50  }
0x52: {  	[sflag:s13] =	ssyncset.done $0x0  }
0x53: {  	[sflag:s13] =	ssyncadd.s32 $0xFFFFFFB0  }
0x54: {  	_ =	sfence.sel $0x180000  }
0x55: {  	[bflag:$0x0] =	sbarrier.arrive $0xFFFF  }
0x56: {  	_ =	strace $0x90000047  }
0x57: {  	s0 =	sadd.s32 @!p0 $0x100000, s0;
	[bflag:$0x2] =	sbarrier.arrive $0xFFFF  }
0x58: {  	[sflag:s0] =	ssyncadd.tile.s32 @!p0 $0x1;
	_ =	shalt  }
.Lfunc_end2:
_tile_overlayer_lowered:
.L_overlay_start_2:
0x59: {  	(tag) =	ssettag $0x2  }
0x5a: {  	s0 =	rddreg [dreg:$0x0];
	s2 =	stileid.u32  }
0x5b: {  	s1 =	rddreg [dreg:$0x1];
	p0 =	sne.s32 s2, $0x0  }
0x5c: {  	s3 =	rddreg [dreg:$0x2];
	[bflag:$0x3] =	sbarrier.arrive $0xFFFF;
	s2 =	simm.s32 @!p0 $0x1C01  }
0x5d: {  	[timem:s3], [sflag:s2] =	dma.local @!p0 [hbm:s0], s1  }
0x5e: {  	s0 =	simm.s32 @!p0 $0x1  }
0x5f: {  	_ =	swait.ge @!p0 [sflag:s0], s1  }
0x60: {  	s1 =	ssub.s32 @!p0 $0x0, s1;
	[sflag:s0] =	ssyncset.done @!p0 $0x0  }
0x61: {  	[sflag:s0] =	ssyncadd.s32 @!p0 s1  }
0x62: {  	[bflag:$0x3] =	sbarrier.arrive $0xFFFF  }
0x63: {  	_ =	shalt  }

</sc_bundles>
